<compile_context>
chip_gen: v7x
topology: tpu7x:2x2x1
jax: 0.10.2.dev20260603
libtpu: 0.0.44.dev20260713+nightly
codegen_flags: <defaults>
</compile_context>

<pallas_src>
import functools

import jax
import jax.numpy as jnp
from jax import lax
from jax.experimental import pallas as pl
from jax.experimental.pallas import tpu as pltpu
from jax.experimental.pallas import tpu_sc as plsc

N = 10000
E = 320000
H = 128
C = 16
G4 = 4 * H

NC = 2
NS = 16
NW = NC * NS

NP = 10240
RP = NP // NS
EPW = E // NW
CH = 128
NCHUNK = EPW // CH
TAIL = EPW - NCHUNK * CH

F32 = jnp.float32

_SC_MESH = dict(core_axis_name="c", subcore_axis_name="s",
                num_cores=NC, num_subcores=NS)

PREC = jax.lax.Precision.HIGHEST
PREC_STEP = jax.lax.Precision.DEFAULT


def _deg_body(src_hbm, dst_hbm, ones_a_hbm, ones_b_hbm, z_hbm, out_hbm,
              sidx_v, didx_v, sidx_t, didx_t, ones_a_v, ones_b_v, acc_sh):
    c = lax.axis_index("c")
    s = lax.axis_index("s")
    w = s * NC + c
    rp0 = s * RP
    pltpu.sync_copy(z_hbm.at[pl.ds(rp0, RP), :], acc_sh.at[pl.ds(rp0, RP), :])
    pltpu.sync_copy(ones_a_hbm, ones_a_v)
    pltpu.sync_copy(ones_b_hbm, ones_b_v)
    plsc.subcore_barrier()

    base = w * EPW

    def body(ci, carry):
        off = base + ci * CH
        pltpu.sync_copy(src_hbm.at[pl.ds(off, CH)], sidx_v)
        pltpu.sync_copy(ones_a_v, acc_sh.at[sidx_v], add=True)
        pltpu.sync_copy(dst_hbm.at[pl.ds(off, CH)], didx_v)
        pltpu.sync_copy(ones_b_v, acc_sh.at[didx_v], add=True)
        return carry

    lax.fori_loop(0, NCHUNK, body, 0)

    offt = base + NCHUNK * CH
    pltpu.sync_copy(src_hbm.at[pl.ds(offt, TAIL)], sidx_t)
    pltpu.sync_copy(ones_a_v.at[pl.ds(0, TAIL), :], acc_sh.at[sidx_t], add=True)
    pltpu.sync_copy(dst_hbm.at[pl.ds(offt, TAIL)], didx_t)
    pltpu.sync_copy(ones_b_v.at[pl.ds(0, TAIL), :], acc_sh.at[didx_t], add=True)

    plsc.subcore_barrier()
    pltpu.sync_copy(acc_sh.at[pl.ds(rp0, RP), :], out_hbm.at[c, pl.ds(rp0, RP), :])


@functools.lru_cache(maxsize=None)
def _get_deg_call():
    return pl.kernel(
        _deg_body,
        out_type=jax.ShapeDtypeStruct((NC, NP, H), F32),
        mesh=plsc.VectorSubcoreMesh(**_SC_MESH),
        scratch_types=[
            pltpu.VMEM((CH,), jnp.int32),
            pltpu.VMEM((CH,), jnp.int32),
            pltpu.VMEM((TAIL,), jnp.int32),
            pltpu.VMEM((TAIL,), jnp.int32),
            pltpu.VMEM((CH, H), F32),
            pltpu.VMEM((CH, H), F32),
            pltpu.VMEM_SHARED((NP, H), F32),
        ],
    )


def _agg_body(hs_hbm, src_hbm, dst_hbm, z_hbm, out_hbm,
              sidx0, sidx1, didx0, didx1, sidx_t, didx_t,
              rows0, rows1, rows_t, acc_sh, sem0, sem1, sems0, sems1):
    c = lax.axis_index("c")
    s = lax.axis_index("s")
    w = s * NC + c
    rp0 = s * RP
    pltpu.sync_copy(z_hbm.at[pl.ds(rp0, RP), :], acc_sh.at[pl.ds(rp0, RP), :])
    plsc.subcore_barrier()

    base = w * EPW

    def gather(idx_ref, rows_ref, sem, off):
        pltpu.sync_copy(src_hbm.at[pl.ds(off, CH)], idx_ref)
        pltpu.async_copy(hs_hbm.at[idx_ref], rows_ref, sem)

    def scatter_start(didx_ref, rows_ref, gsem, ssem, off):
        pltpu.make_async_copy(hs_hbm.at[sidx0], rows_ref, gsem).wait()
        pltpu.sync_copy(dst_hbm.at[pl.ds(off, CH)], didx_ref)
        pltpu.async_copy(rows_ref, acc_sh.at[didx_ref], ssem, add=True)

    def scatter_wait(didx_ref, rows_ref, ssem):
        pltpu.make_async_copy(rows_ref, acc_sh.at[didx_ref], ssem).wait()

    gather(sidx0, rows0, sem0, base)
    gather(sidx1, rows1, sem1, base + CH)

    def pair(k, carry):
        off0 = base + (2 * k) * CH
        scatter_start(didx0, rows0, sem0, sems0, off0)
        scatter_start(didx1, rows1, sem1, sems1, off0 + CH)
        scatter_wait(didx0, rows0, sems0)
        gather(sidx0, rows0, sem0, off0 + 2 * CH)
        scatter_wait(didx1, rows1, sems1)
        gather(sidx1, rows1, sem1, off0 + 3 * CH)
        return carry

    lax.fori_loop(0, (NCHUNK - 2) // 2, pair, 0)

    off76 = base + (NCHUNK - 2) * CH
    scatter_start(didx0, rows0, sem0, sems0, off76)
    scatter_start(didx1, rows1, sem1, sems1, off76 + CH)
    offt = base + NCHUNK * CH
    pltpu.sync_copy(src_hbm.at[pl.ds(offt, TAIL)], sidx_t)
    pltpu.async_copy(hs_hbm.at[sidx_t], rows_t, sem0)
    scatter_wait(didx0, rows0, sems0)
    scatter_wait(didx1, rows1, sems1)
    pltpu.make_async_copy(hs_hbm.at[sidx_t], rows_t, sem0).wait()
    pltpu.sync_copy(dst_hbm.at[pl.ds(offt, TAIL)], didx_t)
    pltpu.sync_copy(rows_t, acc_sh.at[didx_t], add=True)

    plsc.subcore_barrier()
    pltpu.sync_copy(acc_sh.at[pl.ds(rp0, RP), :], out_hbm.at[c, pl.ds(rp0, RP), :])


@functools.lru_cache(maxsize=None)
def _get_agg_call():
    return pl.kernel(
        _agg_body,
        out_type=jax.ShapeDtypeStruct((NC, NP, H), F32),
        mesh=plsc.VectorSubcoreMesh(**_SC_MESH),
        scratch_types=[
            pltpu.VMEM((CH,), jnp.int32),
            pltpu.VMEM((CH,), jnp.int32),
            pltpu.VMEM((CH,), jnp.int32),
            pltpu.VMEM((CH,), jnp.int32),
            pltpu.VMEM((TAIL,), jnp.int32),
            pltpu.VMEM((TAIL,), jnp.int32),
            pltpu.VMEM((CH, H), F32),
            pltpu.VMEM((CH, H), F32),
            pltpu.VMEM((TAIL, H), F32),
            pltpu.VMEM_SHARED((NP, H), F32),
            pltpu.SemaphoreType.DMA,
            pltpu.SemaphoreType.DMA,
            pltpu.SemaphoreType.DMA,
            pltpu.SemaphoreType.DMA,
        ],
    )


BR = 2000


DEG_OUT_COL = 0
DEG_IN_COL = 64


def _norm_col(d0, d1, col):
    deg = d0[:, col:col + 1] + d1[:, col:col + 1]
    return jax.lax.rsqrt(jnp.maximum(deg, 1.0))


def _proj_body(x_ref, w_ref, b_ref, d0_ref, d1_ref, o_ref):
    nout = _norm_col(d0_ref[...], d1_ref[...], DEG_OUT_COL)
    h = jnp.dot(x_ref[...], w_ref[...], preferred_element_type=F32,
                precision=PREC) + b_ref[...]
    o_ref[...] = h * nout


def _conv_mid_body(a0_ref, a1_ref, d0_ref, d1_ref, w_ref, b_ref, o_ref):
    nin = _norm_col(d0_ref[...], d1_ref[...], DEG_IN_COL)
    agg = (a0_ref[...] + a1_ref[...]) * nin
    h = jnp.dot(agg, w_ref[...], preferred_element_type=F32,
                precision=PREC) + b_ref[...]
    h = jnp.maximum(h, 0.0)
    nout = _norm_col(d0_ref[...], d1_ref[...], DEG_OUT_COL)
    o_ref[...] = h * nout


def _row_spec(width):
    return pl.BlockSpec((BR, width), lambda i: (i, 0))


def _full_spec(shape):
    return pl.BlockSpec(shape, lambda i: tuple(0 for _ in shape))


def _proj_call(x, w, b, d0, d1):
    return pl.pallas_call(
        _proj_body,
        grid=(N // BR,),
        in_specs=[_row_spec(H), _full_spec((H, H)), _full_spec((1, H)),
                  _row_spec(H), _row_spec(H)],
        out_specs=_row_spec(H),
        out_shape=jax.ShapeDtypeStruct((N, H), F32),
    )(x, w, b, d0, d1)


def _conv_mid_call(a0, a1, d0, d1, w, b):
    return pl.pallas_call(
        _conv_mid_body,
        grid=(N // BR,),
        in_specs=[_row_spec(H), _row_spec(H), _row_spec(H), _row_spec(H),
                  _full_spec((H, H)), _full_spec((1, H))],
        out_specs=_row_spec(H),
        out_shape=jax.ShapeDtypeStruct((N, H), F32),
    )(a0, a1, d0, d1, w, b)


TB = 1000


def _sigmoid(z):
    return 0.5 * jnp.tanh(0.5 * z) + 0.5


def _lstm_body(a0_ref, a1_ref, d0_ref, d1_ref, w1_ref, b1_ref,
               wih_ref, bih_ref, whh_ref, fcw_ref, fcb_ref, o_ref,
               h_st, c_st, x_st, hblk_st):
    @pl.when(pl.program_id(0) == 0)
    def _init():
        h_st[...] = jnp.zeros_like(h_st)
        c_st[...] = jnp.zeros_like(c_st)

    nin = _norm_col(d0_ref[...], d1_ref[...], DEG_IN_COL)
    agg = (a0_ref[...] + a1_ref[...]) * nin
    h2 = jnp.maximum(jnp.dot(agg, w1_ref[...], preferred_element_type=F32,
                             precision=PREC) + b1_ref[...], 0.0)
    x_st[...] = jnp.dot(h2, wih_ref[...], preferred_element_type=F32,
                        precision=PREC) + bih_ref[...]
    wh = whh_ref[...]

    def step(t, carry):
        h, c = carry
        x = x_st[pl.ds(t, 1), :]
        gates = x + jnp.dot(h.astype(jnp.bfloat16), wh,
                            preferred_element_type=F32, precision=PREC_STEP)
        i = _sigmoid(gates[:, 0:H])
        f = _sigmoid(gates[:, H:2 * H])
        g = jnp.tanh(gates[:, 2 * H:3 * H])
        o = _sigmoid(gates[:, 3 * H:4 * H])
        c = f * c + i * g
        h = o * jnp.tanh(c)
        hblk_st[pl.ds(t, 1), :] = h
        return (h, c)

    hn, cn = lax.fori_loop(0, TB, step, (h_st[...], c_st[...]), unroll=2)
    h_st[...] = hn
    c_st[...] = cn
    o_ref[...] = jnp.dot(hblk_st[...], fcw_ref[...], preferred_element_type=F32,
                         precision=PREC) + fcb_ref[...]


def _lstm_call(a0, a1, d0, d1, w1, b1, wih_t, bias, whh_t, fcw, fcb):
    tspec = pl.BlockSpec((TB, H), lambda i: (i, 0))
    return pl.pallas_call(
        _lstm_body,
        grid=(N // TB,),
        in_specs=[tspec, tspec, tspec, tspec,
                  _full_spec((H, H)), _full_spec((1, H)),
                  _full_spec((H, G4)), _full_spec((1, G4)),
                  _full_spec((H, G4)), _full_spec((H, C)), _full_spec((1, C))],
        out_specs=pl.BlockSpec((TB, C), lambda i: (i, 0)),
        out_shape=jax.ShapeDtypeStruct((N, C), F32),
        scratch_shapes=[
            pltpu.VMEM((1, H), F32),
            pltpu.VMEM((1, H), F32),
            pltpu.VMEM((TB, G4), F32),
            pltpu.VMEM((TB, H), F32),
        ],
        compiler_params=pltpu.CompilerParams(
            dimension_semantics=("arbitrary",)),
    )(a0, a1, d0, d1, w1, b1, wih_t, bias, whh_t, fcw, fcb)


def kernel(features, edge_index, proj_W, proj_b, gnn_W0, gnn_b0, gnn_W1,
           gnn_b1, W_ih, W_hh, b_ih, b_hh, fc_W, fc_b):
    src = edge_index[0]
    dst = edge_index[1]
    z128 = jnp.zeros((NP, H), F32)
    col = jnp.arange(H)
    ones_a = jnp.broadcast_to((col < 64).astype(F32), (CH, H))
    ones_b = jnp.broadcast_to((col >= 64).astype(F32), (CH, H))

    deg_p = _get_deg_call()(src, dst, ones_a, ones_b, z128)
    d0, d1 = deg_p[0], deg_p[1]

    hs0 = _proj_call(features, proj_W, proj_b.reshape(1, H), d0, d1)
    agg0 = _get_agg_call()(hs0, src, dst, z128)
    hs1 = _conv_mid_call(agg0[0], agg0[1], d0, d1, gnn_W0,
                         gnn_b0.reshape(1, H))
    agg1 = _get_agg_call()(hs1, src, dst, z128)

    out = _lstm_call(agg1[0], agg1[1], d0, d1, gnn_W1, gnn_b1.reshape(1, H),
                     W_ih.T, (b_ih + b_hh).reshape(1, G4),
                     W_hh.T.astype(jnp.bfloat16), fc_W, fc_b.reshape(1, C))
    return out

# --- scband reference (transcript-rebuilt; emitter-appended) ---
"""Pipeline reference for scband-gnnlstmmodel-4140348473463 (READ-ONLY COPY).

The authoritative reference and input builder live on the scoring server;
editing this copy changes nothing except your own understanding.
"""

import jax, jax.numpy as jnp
import numpy as np

N = 10000
E = 320000
IN_FEATS = 128
H = 128
C = 16

def setup_inputs(seed: int = 0):
    key = jax.random.key(seed)
    ks = jax.random.split(key, 16)
    s = 0.05
    inp = {}
    inp['features'] = jax.random.normal(ks[0], (N, IN_FEATS), dtype=jnp.float32)
    inp['edge_index'] = jax.random.randint(ks[1], (2, E), 0, N, dtype=jnp.int32)
    inp['proj_W'] = jax.random.normal(ks[2], (IN_FEATS, H), dtype=jnp.float32) * s
    inp['proj_b'] = jnp.zeros((H,), dtype=jnp.float32)
    inp['gnn_W0'] = jax.random.normal(ks[3], (H, H), dtype=jnp.float32) * s
    inp['gnn_b0'] = jnp.zeros((H,), dtype=jnp.float32)
    inp['gnn_W1'] = jax.random.normal(ks[4], (H, H), dtype=jnp.float32) * s
    inp['gnn_b1'] = jnp.zeros((H,), dtype=jnp.float32)
    inp['W_ih'] = jax.random.normal(ks[5], (4 * H, H), dtype=jnp.float32) * s
    inp['W_hh'] = jax.random.normal(ks[6], (4 * H, H), dtype=jnp.float32) * s
    inp['b_ih'] = jnp.zeros((4 * H,), dtype=jnp.float32)
    inp['b_hh'] = jnp.zeros((4 * H,), dtype=jnp.float32)
    inp['fc_W'] = jax.random.normal(ks[7], (H, C), dtype=jnp.float32) * s
    inp['fc_b'] = jnp.zeros((C,), dtype=jnp.float32)
    return inp

def _graph_conv(h, src, dst, W, b):
    # DGL GraphConv, norm='both', allow_zero_in_degree=True, in==out -> aggregate then weight
    ones = jnp.ones((E,), dtype=jnp.float32)
    deg_out = jax.ops.segment_sum(ones, src, num_segments=N)
    deg_in = jax.ops.segment_sum(ones, dst, num_segments=N)
    norm_out = 1.0 / jnp.sqrt(jnp.clip(deg_out, 1.0))
    norm_in = 1.0 / jnp.sqrt(jnp.clip(deg_in, 1.0))
    hs = h * norm_out[:, None]
    agg = jax.ops.segment_sum(hs[src], dst, num_segments=N)
    agg = agg * norm_in[:, None]
    return agg @ W + b

def reference(features, edge_index, proj_W, proj_b, gnn_W0, gnn_b0, gnn_W1, gnn_b1, W_ih, W_hh, b_ih, b_hh, fc_W, fc_b):
    src = edge_index[0]
    dst = edge_index[1]
    h = features @ proj_W + proj_b
    h = jax.nn.relu(_graph_conv(h, src, dst, gnn_W0, gnn_b0))  # dropout: eval mode identity
    h = jax.nn.relu(_graph_conv(h, src, dst, gnn_W1, gnn_b1))
    # LSTM over sequence of length N (batch=1), PyTorch gate order i,f,g,o
    def step(carry, x):
        hp, cp = carry
        gates = x @ W_ih.T + b_ih + hp @ W_hh.T + b_hh
        i, f, g, o = jnp.split(gates, 4)
        i = jax.nn.sigmoid(i)
        f = jax.nn.sigmoid(f)
        g = jnp.tanh(g)
        o = jax.nn.sigmoid(o)
        c = f * cp + i * g
        hn = o * jnp.tanh(c)
        return (hn, c), hn
    init = (jnp.zeros((H,), dtype=jnp.float32), jnp.zeros((H,), dtype=jnp.float32))
    _, outputs = jax.lax.scan(step, init, h)
    out = outputs @ fc_W + fc_b
    return out

if __name__ == "__main__":
    import jax
    _d = setup_inputs()
    print(jax.jit(kernel)(*tuple(_d.values())))

</pallas_src>

<mosaic_0001>
#map = affine_map<(d0, d1) -> (0, 0)>
#map1 = affine_map<(d0, d1) -> (0)>
#map2 = affine_map<(d0, d1) -> (0, 0, 0)>
module attributes {stable_mosaic.version = 14 : i64} {
  func.func @_agg_body(%arg0: i32, %arg1: i32, %arg2: memref<10000x128xf32, #tpu.memory_space<hbm>>, %arg3: memref<320000xi32, #tpu.memory_space<hbm>>, %arg4: memref<320000xi32, #tpu.memory_space<hbm>>, %arg5: memref<10240x128xf32, #tpu.memory_space<hbm>>, %arg6: memref<2x10240x128xf32, #tpu.memory_space<hbm>>, %arg7: memref<128xi32, #tpu.memory_space<vmem>>, %arg8: memref<128xi32, #tpu.memory_space<vmem>>, %arg9: memref<128xi32, #tpu.memory_space<vmem>>, %arg10: memref<128xi32, #tpu.memory_space<vmem>>, %arg11: memref<16xi32, #tpu.memory_space<vmem>>, %arg12: memref<16xi32, #tpu.memory_space<vmem>>, %arg13: memref<128x128xf32, #tpu.memory_space<vmem>>, %arg14: memref<128x128xf32, #tpu.memory_space<vmem>>, %arg15: memref<16x128xf32, #tpu.memory_space<vmem>>, %arg16: memref<10240x128xf32, #tpu.memory_space<vmem_shared>>, %arg17: memref<!tpu.dma_semaphore, #tpu.memory_space<semaphore_mem>>, %arg18: memref<!tpu.dma_semaphore, #tpu.memory_space<semaphore_mem>>, %arg19: memref<!tpu.dma_semaphore, #tpu.memory_space<semaphore_mem>>, %arg20: memref<!tpu.dma_semaphore, #tpu.memory_space<semaphore_mem>>) attributes {dimension_semantics = [#tpu.dimension_semantics<core_parallel>, #tpu.dimension_semantics<subcore_parallel>], iteration_bounds = array<i64: 2, 16>, scalar_prefetch = 0 : i64, scratch_operands = 14 : i64, tpu.core_type = #tpu.core_type<sc_vector_subcore>, window_params = [{transform_indices = #map}, {transform_indices = #map1}, {transform_indices = #map1}, {transform_indices = #map}, {transform_indices = #map2}]} {
    %mul3A = arith.constant 2 : i32
    %mul3A_0 = arith.muli %arg1, %mul3A : i32
    %add3A = arith.addi %mul3A_0, %arg0 : i32
    %mul3A_1 = arith.constant 640 : i32
    %mul3A_2 = arith.muli %arg1, %mul3A_1 : i32
    "tpu.region"() ({
      %run_scoped3A = tpu.sem_alloc : memref<!tpu.dma_semaphore, #tpu.memory_space<semaphore_mem>>
      %dma_start3A_47 = arith.constant 0 : i32
      %dma_start3A_48 = tpu.memref_slice %arg16[%mul3A_2, %dma_start3A_47] : memref<10240x128xf32, #tpu.memory_space<vmem_shared>> -> memref<640x128xf32, #tpu.memory_space<vmem_shared>>
      %dma_start3A_49 = arith.constant 0 : i32
      %dma_start3A_50 = tpu.memref_slice %arg5[%mul3A_2, %dma_start3A_49] : memref<10240x128xf32, #tpu.memory_space<hbm>> -> memref<640x128xf32, #tpu.memory_space<hbm>>
      tpu.enqueue_dma source(%dma_start3A_50 : memref<640x128xf32, #tpu.memory_space<hbm>>) target(%dma_start3A_48 : memref<640x128xf32, #tpu.memory_space<vmem_shared>>) target_semaphore(%run_scoped3A : memref<!tpu.dma_semaphore, #tpu.memory_space<semaphore_mem>>)
      %dma_wait3A_51 = arith.constant 0 : i32
      %dma_wait3A_52 = tpu.memref_slice %arg16[%mul3A_2, %dma_wait3A_51] : memref<10240x128xf32, #tpu.memory_space<vmem_shared>> -> memref<640x128xf32, #tpu.memory_space<vmem_shared>>
      %dma_wait3A_53 = arith.constant 0 : i32
      %dma_wait3A_54 = tpu.memref_slice %arg5[%mul3A_2, %dma_wait3A_53] : memref<10240x128xf32, #tpu.memory_space<hbm>> -> memref<640x128xf32, #tpu.memory_space<hbm>>
      tpu.wait_dma2 semaphore(%run_scoped3A : memref<!tpu.dma_semaphore, #tpu.memory_space<semaphore_mem>>) src(%dma_wait3A_54 : memref<640x128xf32, #tpu.memory_space<hbm>>) dst(%dma_wait3A_52 : memref<640x128xf32, #tpu.memory_space<vmem_shared>>)
      tpu.yield
    }) : () -> ()
    %barrier3A = arith.constant 0 : index
    tpu.barrier barrier_id(%barrier3A)
    %mul3A_3 = arith.constant 10000 : i32
    %mul3A_4 = arith.muli %add3A, %mul3A_3 : i32
    "tpu.region"() ({
      %run_scoped3A = tpu.sem_alloc : memref<!tpu.dma_semaphore, #tpu.memory_space<semaphore_mem>>
      %dma_start3A_47 = tpu.memref_slice %arg3[%mul3A_4] : memref<320000xi32, #tpu.memory_space<hbm>> -> memref<128xi32, #tpu.memory_space<hbm>>
      %dma_start3A_48 = tpu.memref_slice %arg3[%mul3A_4] : memref<320000xi32, #tpu.memory_space<hbm>> -> memref<128xi32, #tpu.memory_space<hbm>>
      tpu.enqueue_dma source(%dma_start3A_48 : memref<128xi32, #tpu.memory_space<hbm>>) target(%arg7 : memref<128xi32, #tpu.memory_space<vmem>>) target_semaphore(%run_scoped3A : memref<!tpu.dma_semaphore, #tpu.memory_space<semaphore_mem>>)
      %dma_wait3A_49 = tpu.memref_slice %arg3[%mul3A_4] : memref<320000xi32, #tpu.memory_space<hbm>> -> memref<128xi32, #tpu.memory_space<hbm>>
      %dma_wait3A_50 = tpu.memref_slice %arg3[%mul3A_4] : memref<320000xi32, #tpu.memory_space<hbm>> -> memref<128xi32, #tpu.memory_space<hbm>>
      tpu.wait_dma2 semaphore(%run_scoped3A : memref<!tpu.dma_semaphore, #tpu.memory_space<semaphore_mem>>) src(%dma_wait3A_50 : memref<128xi32, #tpu.memory_space<hbm>>) dst(%arg7 : memref<128xi32, #tpu.memory_space<vmem>>)
      tpu.yield
    }) : () -> ()
    %dma_start3A = arith.constant 0 : i32
    %dma_start3A_5 = arith.constant 0 : i32
    %dma_start3A_6 = tpu.memref_slice %arg2[%dma_start3A, %dma_start3A_5] : memref<10000x128xf32, #tpu.memory_space<hbm>> -> memref<10000x128xf32, #tpu.memory_space<hbm>>
    tpu.enqueue_indirect_dma source(%dma_start3A_6 : memref<10000x128xf32, #tpu.memory_space<hbm>>) target(%arg13 : memref<128x128xf32, #tpu.memory_space<vmem>>) offsets(%arg7 : memref<128xi32, #tpu.memory_space<vmem>>) semaphore(%arg17 : memref<!tpu.dma_semaphore, #tpu.memory_space<semaphore_mem>>)
    %add3A_7 = arith.constant 128 : i32
    %add3A_8 = arith.addi %mul3A_4, %add3A_7 : i32
    "tpu.region"() ({
      %run_scoped3A = tpu.sem_alloc : memref<!tpu.dma_semaphore, #tpu.memory_space<semaphore_mem>>
      %dma_start3A_47 = tpu.memref_slice %arg3[%add3A_8] : memref<320000xi32, #tpu.memory_space<hbm>> -> memref<128xi32, #tpu.memory_space<hbm>>
      %dma_start3A_48 = tpu.memref_slice %arg3[%add3A_8] : memref<320000xi32, #tpu.memory_space<hbm>> -> memref<128xi32, #tpu.memory_space<hbm>>
      tpu.enqueue_dma source(%dma_start3A_48 : memref<128xi32, #tpu.memory_space<hbm>>) target(%arg8 : memref<128xi32, #tpu.memory_space<vmem>>) target_semaphore(%run_scoped3A : memref<!tpu.dma_semaphore, #tpu.memory_space<semaphore_mem>>)
      %dma_wait3A_49 = tpu.memref_slice %arg3[%add3A_8] : memref<320000xi32, #tpu.memory_space<hbm>> -> memref<128xi32, #tpu.memory_space<hbm>>
      %dma_wait3A_50 = tpu.memref_slice %arg3[%add3A_8] : memref<320000xi32, #tpu.memory_space<hbm>> -> memref<128xi32, #tpu.memory_space<hbm>>
      tpu.wait_dma2 semaphore(%run_scoped3A : memref<!tpu.dma_semaphore, #tpu.memory_space<semaphore_mem>>) src(%dma_wait3A_50 : memref<128xi32, #tpu.memory_space<hbm>>) dst(%arg8 : memref<128xi32, #tpu.memory_space<vmem>>)
      tpu.yield
    }) : () -> ()
    %dma_start3A_9 = arith.constant 0 : i32
    %dma_start3A_10 = arith.constant 0 : i32
    %dma_start3A_11 = tpu.memref_slice %arg2[%dma_start3A_9, %dma_start3A_10] : memref<10000x128xf32, #tpu.memory_space<hbm>> -> memref<10000x128xf32, #tpu.memory_space<hbm>>
    tpu.enqueue_indirect_dma source(%dma_start3A_11 : memref<10000x128xf32, #tpu.memory_space<hbm>>) target(%arg14 : memref<128x128xf32, #tpu.memory_space<vmem>>) offsets(%arg8 : memref<128xi32, #tpu.memory_space<vmem>>) semaphore(%arg18 : memref<!tpu.dma_semaphore, #tpu.memory_space<semaphore_mem>>)
    %scan3A = arith.constant 0 : i32
    %scan3A_12 = arith.constant 0 : i32
    %scan3A_13 = arith.constant 38 : i32
    %scan3A_14 = arith.addi %scan3A_12, %scan3A_13 : i32
    %scan3A_15 = arith.constant 1 : i32
    scf.for %scan3A_47 = %scan3A_12 to %scan3A_14 step %scan3A_15  : i32 {
      %mul3A_48 = arith.constant 2 : i32
      %mul3A_49 = arith.muli %mul3A_48, %scan3A_47 : i32
      %mul3A_50 = arith.constant 128 : i32
      %mul3A_51 = arith.muli %mul3A_49, %mul3A_50 : i32
      %add3A_52 = arith.addi %mul3A_4, %mul3A_51 : i32
      %dma_wait3A_53 = arith.constant 0 : i32
      %dma_wait3A_54 = arith.constant 0 : i32
      %dma_wait3A_55 = tpu.memref_slice %arg2[%dma_wait3A_53, %dma_wait3A_54] : memref<10000x128xf32, #tpu.memory_space<hbm>> -> memref<10000x128xf32, #tpu.memory_space<hbm>>
      tpu.wait_indirect_dma semaphore(%arg17 : memref<!tpu.dma_semaphore, #tpu.memory_space<semaphore_mem>>) src(%dma_wait3A_55 : memref<10000x128xf32, #tpu.memory_space<hbm>>) dst(%arg13 : memref<128x128xf32, #tpu.memory_space<vmem>>)
      "tpu.region"() ({
        %run_scoped3A = tpu.sem_alloc : memref<!tpu.dma_semaphore, #tpu.memory_space<semaphore_mem>>
        %dma_start3A_83 = tpu.memref_slice %arg4[%add3A_52] : memref<320000xi32, #tpu.memory_space<hbm>> -> memref<128xi32, #tpu.memory_space<hbm>>
        %dma_start3A_84 = tpu.memref_slice %arg4[%add3A_52] : memref<320000xi32, #tpu.memory_space<hbm>> -> memref<128xi32, #tpu.memory_space<hbm>>
        tpu.enqueue_dma source(%dma_start3A_84 : memref<128xi32, #tpu.memory_space<hbm>>) target(%arg9 : memref<128xi32, #tpu.memory_space<vmem>>) target_semaphore(%run_scoped3A : memref<!tpu.dma_semaphore, #tpu.memory_space<semaphore_mem>>)
        %dma_wait3A_85 = tpu.memref_slice %arg4[%add3A_52] : memref<320000xi32, #tpu.memory_space<hbm>> -> memref<128xi32, #tpu.memory_space<hbm>>
        %dma_wait3A_86 = tpu.memref_slice %arg4[%add3A_52] : memref<320000xi32, #tpu.memory_space<hbm>> -> memref<128xi32, #tpu.memory_space<hbm>>
        tpu.wait_dma2 semaphore(%run_scoped3A : memref<!tpu.dma_semaphore, #tpu.memory_space<semaphore_mem>>) src(%dma_wait3A_86 : memref<128xi32, #tpu.memory_space<hbm>>) dst(%arg9 : memref<128xi32, #tpu.memory_space<vmem>>)
        tpu.yield
      }) : () -> ()
      %dma_start3A_56 = arith.constant 0 : i32
      %dma_start3A_57 = arith.constant 0 : i32
      %dma_start3A_58 = tpu.memref_slice %arg16[%dma_start3A_56, %dma_start3A_57] : memref<10240x128xf32, #tpu.memory_space<vmem_shared>> -> memref<10240x128xf32, #tpu.memory_space<vmem_shared>>
      tpu.enqueue_indirect_dma source(%arg13 : memref<128x128xf32, #tpu.memory_space<vmem>>) target(%dma_start3A_58 : memref<10240x128xf32, #tpu.memory_space<vmem_shared>>) offsets(%arg9 : memref<128xi32, #tpu.memory_space<vmem>>) semaphore(%arg19 : memref<!tpu.dma_semaphore, #tpu.memory_space<semaphore_mem>>) {add = true}
      %add3A_59 = arith.constant 128 : i32
      %add3A_60 = arith.addi %add3A_52, %add3A_59 : i32
      %dma_wait3A_61 = arith.constant 0 : i32
      %dma_wait3A_62 = arith.constant 0 : i32
      %dma_wait3A_63 = tpu.memref_slice %arg2[%dma_wait3A_61, %dma_wait3A_62] : memref<10000x128xf32, #tpu.memory_space<hbm>> -> memref<10000x128xf32, #tpu.memory_space<hbm>>
      tpu.wait_indirect_dma semaphore(%arg18 : memref<!tpu.dma_semaphore, #tpu.memory_space<semaphore_mem>>) src(%dma_wait3A_63 : memref<10000x128xf32, #tpu.memory_space<hbm>>) dst(%arg14 : memref<128x128xf32, #tpu.memory_space<vmem>>)
      "tpu.region"() ({
        %run_scoped3A = tpu.sem_alloc : memref<!tpu.dma_semaphore, #tpu.memory_space<semaphore_mem>>
        %dma_start3A_83 = tpu.memref_slice %arg4[%add3A_60] : memref<320000xi32, #tpu.memory_space<hbm>> -> memref<128xi32, #tpu.memory_space<hbm>>
        %dma_start3A_84 = tpu.memref_slice %arg4[%add3A_60] : memref<320000xi32, #tpu.memory_space<hbm>> -> memref<128xi32, #tpu.memory_space<hbm>>
        tpu.enqueue_dma source(%dma_start3A_84 : memref<128xi32, #tpu.memory_space<hbm>>) target(%arg10 : memref<128xi32, #tpu.memory_space<vmem>>) target_semaphore(%run_scoped3A : memref<!tpu.dma_semaphore, #tpu.memory_space<semaphore_mem>>)
        %dma_wait3A_85 = tpu.memref_slice %arg4[%add3A_60] : memref<320000xi32, #tpu.memory_space<hbm>> -> memref<128xi32, #tpu.memory_space<hbm>>
        %dma_wait3A_86 = tpu.memref_slice %arg4[%add3A_60] : memref<320000xi32, #tpu.memory_space<hbm>> -> memref<128xi32, #tpu.memory_space<hbm>>
        tpu.wait_dma2 semaphore(%run_scoped3A : memref<!tpu.dma_semaphore, #tpu.memory_space<semaphore_mem>>) src(%dma_wait3A_86 : memref<128xi32, #tpu.memory_space<hbm>>) dst(%arg10 : memref<128xi32, #tpu.memory_space<vmem>>)
        tpu.yield
      }) : () -> ()
      %dma_start3A_64 = arith.constant 0 : i32
      %dma_start3A_65 = arith.constant 0 : i32
      %dma_start3A_66 = tpu.memref_slice %arg16[%dma_start3A_64, %dma_start3A_65] : memref<10240x128xf32, #tpu.memory_space<vmem_shared>> -> memref<10240x128xf32, #tpu.memory_space<vmem_shared>>
      tpu.enqueue_indirect_dma source(%arg14 : memref<128x128xf32, #tpu.memory_space<vmem>>) target(%dma_start3A_66 : memref<10240x128xf32, #tpu.memory_space<vmem_shared>>) offsets(%arg10 : memref<128xi32, #tpu.memory_space<vmem>>) semaphore(%arg20 : memref<!tpu.dma_semaphore, #tpu.memory_space<semaphore_mem>>) {add = true}
      %dma_wait3A_67 = arith.constant 0 : i32
      %dma_wait3A_68 = arith.constant 0 : i32
      %dma_wait3A_69 = tpu.memref_slice %arg16[%dma_wait3A_67, %dma_wait3A_68] : memref<10240x128xf32, #tpu.memory_space<vmem_shared>> -> memref<10240x128xf32, #tpu.memory_space<vmem_shared>>
      tpu.wait_indirect_dma semaphore(%arg19 : memref<!tpu.dma_semaphore, #tpu.memory_space<semaphore_mem>>) src(%arg13 : memref<128x128xf32, #tpu.memory_space<vmem>>) dst(%dma_wait3A_69 : memref<10240x128xf32, #tpu.memory_space<vmem_shared>>)
      %add3A_70 = arith.constant 256 : i32
      %add3A_71 = arith.addi %add3A_52, %add3A_70 : i32
      "tpu.region"() ({
        %run_scoped3A = tpu.sem_alloc : memref<!tpu.dma_semaphore, #tpu.memory_space<semaphore_mem>>
        %dma_start3A_83 = tpu.memref_slice %arg3[%add3A_71] : memref<320000xi32, #tpu.memory_space<hbm>> -> memref<128xi32, #tpu.memory_space<hbm>>
        %dma_start3A_84 = tpu.memref_slice %arg3[%add3A_71] : memref<320000xi32, #tpu.memory_space<hbm>> -> memref<128xi32, #tpu.memory_space<hbm>>
        tpu.enqueue_dma source(%dma_start3A_84 : memref<128xi32, #tpu.memory_space<hbm>>) target(%arg7 : memref<128xi32, #tpu.memory_space<vmem>>) target_semaphore(%run_scoped3A : memref<!tpu.dma_semaphore, #tpu.memory_space<semaphore_mem>>)
        %dma_wait3A_85 = tpu.memref_slice %arg3[%add3A_71] : memref<320000xi32, #tpu.memory_space<hbm>> -> memref<128xi32, #tpu.memory_space<hbm>>
        %dma_wait3A_86 = tpu.memref_slice %arg3[%add3A_71] : memref<320000xi32, #tpu.memory_space<hbm>> -> memref<128xi32, #tpu.memory_space<hbm>>
        tpu.wait_dma2 semaphore(%run_scoped3A : memref<!tpu.dma_semaphore, #tpu.memory_space<semaphore_mem>>) src(%dma_wait3A_86 : memref<128xi32, #tpu.memory_space<hbm>>) dst(%arg7 : memref<128xi32, #tpu.memory_space<vmem>>)
        tpu.yield
      }) : () -> ()
      %dma_start3A_72 = arith.constant 0 : i32
      %dma_start3A_73 = arith.constant 0 : i32
      %dma_start3A_74 = tpu.memref_slice %arg2[%dma_start3A_72, %dma_start3A_73] : memref<10000x128xf32, #tpu.memory_space<hbm>> -> memref<10000x128xf32, #tpu.memory_space<hbm>>
      tpu.enqueue_indirect_dma source(%dma_start3A_74 : memref<10000x128xf32, #tpu.memory_space<hbm>>) target(%arg13 : memref<128x128xf32, #tpu.memory_space<vmem>>) offsets(%arg7 : memref<128xi32, #tpu.memory_space<vmem>>) semaphore(%arg17 : memref<!tpu.dma_semaphore, #tpu.memory_space<semaphore_mem>>)
      %dma_wait3A_75 = arith.constant 0 : i32
      %dma_wait3A_76 = arith.constant 0 : i32
      %dma_wait3A_77 = tpu.memref_slice %arg16[%dma_wait3A_75, %dma_wait3A_76] : memref<10240x128xf32, #tpu.memory_space<vmem_shared>> -> memref<10240x128xf32, #tpu.memory_space<vmem_shared>>
      tpu.wait_indirect_dma semaphore(%arg20 : memref<!tpu.dma_semaphore, #tpu.memory_space<semaphore_mem>>) src(%arg14 : memref<128x128xf32, #tpu.memory_space<vmem>>) dst(%dma_wait3A_77 : memref<10240x128xf32, #tpu.memory_space<vmem_shared>>)
      %add3A_78 = arith.constant 384 : i32
      %add3A_79 = arith.addi %add3A_52, %add3A_78 : i32
      "tpu.region"() ({
        %run_scoped3A = tpu.sem_alloc : memref<!tpu.dma_semaphore, #tpu.memory_space<semaphore_mem>>
        %dma_start3A_83 = tpu.memref_slice %arg3[%add3A_79] : memref<320000xi32, #tpu.memory_space<hbm>> -> memref<128xi32, #tpu.memory_space<hbm>>
        %dma_start3A_84 = tpu.memref_slice %arg3[%add3A_79] : memref<320000xi32, #tpu.memory_space<hbm>> -> memref<128xi32, #tpu.memory_space<hbm>>
        tpu.enqueue_dma source(%dma_start3A_84 : memref<128xi32, #tpu.memory_space<hbm>>) target(%arg8 : memref<128xi32, #tpu.memory_space<vmem>>) target_semaphore(%run_scoped3A : memref<!tpu.dma_semaphore, #tpu.memory_space<semaphore_mem>>)
        %dma_wait3A_85 = tpu.memref_slice %arg3[%add3A_79] : memref<320000xi32, #tpu.memory_space<hbm>> -> memref<128xi32, #tpu.memory_space<hbm>>
        %dma_wait3A_86 = tpu.memref_slice %arg3[%add3A_79] : memref<320000xi32, #tpu.memory_space<hbm>> -> memref<128xi32, #tpu.memory_space<hbm>>
        tpu.wait_dma2 semaphore(%run_scoped3A : memref<!tpu.dma_semaphore, #tpu.memory_space<semaphore_mem>>) src(%dma_wait3A_86 : memref<128xi32, #tpu.memory_space<hbm>>) dst(%arg8 : memref<128xi32, #tpu.memory_space<vmem>>)
        tpu.yield
      }) : () -> ()
      %dma_start3A_80 = arith.constant 0 : i32
      %dma_start3A_81 = arith.constant 0 : i32
      %dma_start3A_82 = tpu.memref_slice %arg2[%dma_start3A_80, %dma_start3A_81] : memref<10000x128xf32, #tpu.memory_space<hbm>> -> memref<10000x128xf32, #tpu.memory_space<hbm>>
      tpu.enqueue_indirect_dma source(%dma_start3A_82 : memref<10000x128xf32, #tpu.memory_space<hbm>>) target(%arg14 : memref<128x128xf32, #tpu.memory_space<vmem>>) offsets(%arg8 : memref<128xi32, #tpu.memory_space<vmem>>) semaphore(%arg18 : memref<!tpu.dma_semaphore, #tpu.memory_space<semaphore_mem>>)
    }
    %scan3A_16 = arith.constant 38 : i32
    %add3A_17 = arith.constant 9728 : i32
    %add3A_18 = arith.addi %mul3A_4, %add3A_17 : i32
    %dma_wait3A = arith.constant 0 : i32
    %dma_wait3A_19 = arith.constant 0 : i32
    %dma_wait3A_20 = tpu.memref_slice %arg2[%dma_wait3A, %dma_wait3A_19] : memref<10000x128xf32, #tpu.memory_space<hbm>> -> memref<10000x128xf32, #tpu.memory_space<hbm>>
    tpu.wait_indirect_dma semaphore(%arg17 : memref<!tpu.dma_semaphore, #tpu.memory_space<semaphore_mem>>) src(%dma_wait3A_20 : memref<10000x128xf32, #tpu.memory_space<hbm>>) dst(%arg13 : memref<128x128xf32, #tpu.memory_space<vmem>>)
    "tpu.region"() ({
      %run_scoped3A = tpu.sem_alloc : memref<!tpu.dma_semaphore, #tpu.memory_space<semaphore_mem>>
      %dma_start3A_47 = tpu.memref_slice %arg4[%add3A_18] : memref<320000xi32, #tpu.memory_space<hbm>> -> memref<128xi32, #tpu.memory_space<hbm>>
      %dma_start3A_48 = tpu.memref_slice %arg4[%add3A_18] : memref<320000xi32, #tpu.memory_space<hbm>> -> memref<128xi32, #tpu.memory_space<hbm>>
      tpu.enqueue_dma source(%dma_start3A_48 : memref<128xi32, #tpu.memory_space<hbm>>) target(%arg9 : memref<128xi32, #tpu.memory_space<vmem>>) target_semaphore(%run_scoped3A : memref<!tpu.dma_semaphore, #tpu.memory_space<semaphore_mem>>)
      %dma_wait3A_49 = tpu.memref_slice %arg4[%add3A_18] : memref<320000xi32, #tpu.memory_space<hbm>> -> memref<128xi32, #tpu.memory_space<hbm>>
      %dma_wait3A_50 = tpu.memref_slice %arg4[%add3A_18] : memref<320000xi32, #tpu.memory_space<hbm>> -> memref<128xi32, #tpu.memory_space<hbm>>
      tpu.wait_dma2 semaphore(%run_scoped3A : memref<!tpu.dma_semaphore, #tpu.memory_space<semaphore_mem>>) src(%dma_wait3A_50 : memref<128xi32, #tpu.memory_space<hbm>>) dst(%arg9 : memref<128xi32, #tpu.memory_space<vmem>>)
      tpu.yield
    }) : () -> ()
    %dma_start3A_21 = arith.constant 0 : i32
    %dma_start3A_22 = arith.constant 0 : i32
    %dma_start3A_23 = tpu.memref_slice %arg16[%dma_start3A_21, %dma_start3A_22] : memref<10240x128xf32, #tpu.memory_space<vmem_shared>> -> memref<10240x128xf32, #tpu.memory_space<vmem_shared>>
    tpu.enqueue_indirect_dma source(%arg13 : memref<128x128xf32, #tpu.memory_space<vmem>>) target(%dma_start3A_23 : memref<10240x128xf32, #tpu.memory_space<vmem_shared>>) offsets(%arg9 : memref<128xi32, #tpu.memory_space<vmem>>) semaphore(%arg19 : memref<!tpu.dma_semaphore, #tpu.memory_space<semaphore_mem>>) {add = true}
    %add3A_24 = arith.constant 128 : i32
    %add3A_25 = arith.addi %add3A_18, %add3A_24 : i32
    %dma_wait3A_26 = arith.constant 0 : i32
    %dma_wait3A_27 = arith.constant 0 : i32
    %dma_wait3A_28 = tpu.memref_slice %arg2[%dma_wait3A_26, %dma_wait3A_27] : memref<10000x128xf32, #tpu.memory_space<hbm>> -> memref<10000x128xf32, #tpu.memory_space<hbm>>
    tpu.wait_indirect_dma semaphore(%arg18 : memref<!tpu.dma_semaphore, #tpu.memory_space<semaphore_mem>>) src(%dma_wait3A_28 : memref<10000x128xf32, #tpu.memory_space<hbm>>) dst(%arg14 : memref<128x128xf32, #tpu.memory_space<vmem>>)
    "tpu.region"() ({
      %run_scoped3A = tpu.sem_alloc : memref<!tpu.dma_semaphore, #tpu.memory_space<semaphore_mem>>
      %dma_start3A_47 = tpu.memref_slice %arg4[%add3A_25] : memref<320000xi32, #tpu.memory_space<hbm>> -> memref<128xi32, #tpu.memory_space<hbm>>
      %dma_start3A_48 = tpu.memref_slice %arg4[%add3A_25] : memref<320000xi32, #tpu.memory_space<hbm>> -> memref<128xi32, #tpu.memory_space<hbm>>
      tpu.enqueue_dma source(%dma_start3A_48 : memref<128xi32, #tpu.memory_space<hbm>>) target(%arg10 : memref<128xi32, #tpu.memory_space<vmem>>) target_semaphore(%run_scoped3A : memref<!tpu.dma_semaphore, #tpu.memory_space<semaphore_mem>>)
      %dma_wait3A_49 = tpu.memref_slice %arg4[%add3A_25] : memref<320000xi32, #tpu.memory_space<hbm>> -> memref<128xi32, #tpu.memory_space<hbm>>
      %dma_wait3A_50 = tpu.memref_slice %arg4[%add3A_25] : memref<320000xi32, #tpu.memory_space<hbm>> -> memref<128xi32, #tpu.memory_space<hbm>>
      tpu.wait_dma2 semaphore(%run_scoped3A : memref<!tpu.dma_semaphore, #tpu.memory_space<semaphore_mem>>) src(%dma_wait3A_50 : memref<128xi32, #tpu.memory_space<hbm>>) dst(%arg10 : memref<128xi32, #tpu.memory_space<vmem>>)
      tpu.yield
    }) : () -> ()
    %dma_start3A_29 = arith.constant 0 : i32
    %dma_start3A_30 = arith.constant 0 : i32
    %dma_start3A_31 = tpu.memref_slice %arg16[%dma_start3A_29, %dma_start3A_30] : memref<10240x128xf32, #tpu.memory_space<vmem_shared>> -> memref<10240x128xf32, #tpu.memory_space<vmem_shared>>
    tpu.enqueue_indirect_dma source(%arg14 : memref<128x128xf32, #tpu.memory_space<vmem>>) target(%dma_start3A_31 : memref<10240x128xf32, #tpu.memory_space<vmem_shared>>) offsets(%arg10 : memref<128xi32, #tpu.memory_space<vmem>>) semaphore(%arg20 : memref<!tpu.dma_semaphore, #tpu.memory_space<semaphore_mem>>) {add = true}
    %add3A_32 = arith.constant 9984 : i32
    %add3A_33 = arith.addi %mul3A_4, %add3A_32 : i32
    "tpu.region"() ({
      %run_scoped3A = tpu.sem_alloc : memref<!tpu.dma_semaphore, #tpu.memory_space<semaphore_mem>>
      %dma_start3A_47 = tpu.memref_slice %arg3[%add3A_33] : memref<320000xi32, #tpu.memory_space<hbm>> -> memref<16xi32, #tpu.memory_space<hbm>>
      %dma_start3A_48 = tpu.memref_slice %arg3[%add3A_33] : memref<320000xi32, #tpu.memory_space<hbm>> -> memref<16xi32, #tpu.memory_space<hbm>>
      tpu.enqueue_dma source(%dma_start3A_48 : memref<16xi32, #tpu.memory_space<hbm>>) target(%arg11 : memref<16xi32, #tpu.memory_space<vmem>>) target_semaphore(%run_scoped3A : memref<!tpu.dma_semaphore, #tpu.memory_space<semaphore_mem>>)
      %dma_wait3A_49 = tpu.memref_slice %arg3[%add3A_33] : memref<320000xi32, #tpu.memory_space<hbm>> -> memref<16xi32, #tpu.memory_space<hbm>>
      %dma_wait3A_50 = tpu.memref_slice %arg3[%add3A_33] : memref<320000xi32, #tpu.memory_space<hbm>> -> memref<16xi32, #tpu.memory_space<hbm>>
      tpu.wait_dma2 semaphore(%run_scoped3A : memref<!tpu.dma_semaphore, #tpu.memory_space<semaphore_mem>>) src(%dma_wait3A_50 : memref<16xi32, #tpu.memory_space<hbm>>) dst(%arg11 : memref<16xi32, #tpu.memory_space<vmem>>)
      tpu.yield
    }) : () -> ()
    %dma_start3A_34 = arith.constant 0 : i32
    %dma_start3A_35 = arith.constant 0 : i32
    %dma_start3A_36 = tpu.memref_slice %arg2[%dma_start3A_34, %dma_start3A_35] : memref<10000x128xf32, #tpu.memory_space<hbm>> -> memref<10000x128xf32, #tpu.memory_space<hbm>>
    tpu.enqueue_indirect_dma source(%dma_start3A_36 : memref<10000x128xf32, #tpu.memory_space<hbm>>) target(%arg15 : memref<16x128xf32, #tpu.memory_space<vmem>>) offsets(%arg11 : memref<16xi32, #tpu.memory_space<vmem>>) semaphore(%arg17 : memref<!tpu.dma_semaphore, #tpu.memory_space<semaphore_mem>>)
    %dma_wait3A_37 = arith.constant 0 : i32
    %dma_wait3A_38 = arith.constant 0 : i32
    %dma_wait3A_39 = tpu.memref_slice %arg16[%dma_wait3A_37, %dma_wait3A_38] : memref<10240x128xf32, #tpu.memory_space<vmem_shared>> -> memref<10240x128xf32, #tpu.memory_space<vmem_shared>>
    tpu.wait_indirect_dma semaphore(%arg19 : memref<!tpu.dma_semaphore, #tpu.memory_space<semaphore_mem>>) src(%arg13 : memref<128x128xf32, #tpu.memory_space<vmem>>) dst(%dma_wait3A_39 : memref<10240x128xf32, #tpu.memory_space<vmem_shared>>)
    %dma_wait3A_40 = arith.constant 0 : i32
    %dma_wait3A_41 = arith.constant 0 : i32
    %dma_wait3A_42 = tpu.memref_slice %arg16[%dma_wait3A_40, %dma_wait3A_41] : memref<10240x128xf32, #tpu.memory_space<vmem_shared>> -> memref<10240x128xf32, #tpu.memory_space<vmem_shared>>
    tpu.wait_indirect_dma semaphore(%arg20 : memref<!tpu.dma_semaphore, #tpu.memory_space<semaphore_mem>>) src(%arg14 : memref<128x128xf32, #tpu.memory_space<vmem>>) dst(%dma_wait3A_42 : memref<10240x128xf32, #tpu.memory_space<vmem_shared>>)
    %dma_wait3A_43 = arith.constant 0 : i32
    %dma_wait3A_44 = arith.constant 0 : i32
    %dma_wait3A_45 = tpu.memref_slice %arg2[%dma_wait3A_43, %dma_wait3A_44] : memref<10000x128xf32, #tpu.memory_space<hbm>> -> memref<10000x128xf32, #tpu.memory_space<hbm>>
    tpu.wait_indirect_dma semaphore(%arg17 : memref<!tpu.dma_semaphore, #tpu.memory_space<semaphore_mem>>) src(%dma_wait3A_45 : memref<10000x128xf32, #tpu.memory_space<hbm>>) dst(%arg15 : memref<16x128xf32, #tpu.memory_space<vmem>>)
    "tpu.region"() ({
      %run_scoped3A = tpu.sem_alloc : memref<!tpu.dma_semaphore, #tpu.memory_space<semaphore_mem>>
      %dma_start3A_47 = tpu.memref_slice %arg4[%add3A_33] : memref<320000xi32, #tpu.memory_space<hbm>> -> memref<16xi32, #tpu.memory_space<hbm>>
      %dma_start3A_48 = tpu.memref_slice %arg4[%add3A_33] : memref<320000xi32, #tpu.memory_space<hbm>> -> memref<16xi32, #tpu.memory_space<hbm>>
      tpu.enqueue_dma source(%dma_start3A_48 : memref<16xi32, #tpu.memory_space<hbm>>) target(%arg12 : memref<16xi32, #tpu.memory_space<vmem>>) target_semaphore(%run_scoped3A : memref<!tpu.dma_semaphore, #tpu.memory_space<semaphore_mem>>)
      %dma_wait3A_49 = tpu.memref_slice %arg4[%add3A_33] : memref<320000xi32, #tpu.memory_space<hbm>> -> memref<16xi32, #tpu.memory_space<hbm>>
      %dma_wait3A_50 = tpu.memref_slice %arg4[%add3A_33] : memref<320000xi32, #tpu.memory_space<hbm>> -> memref<16xi32, #tpu.memory_space<hbm>>
      tpu.wait_dma2 semaphore(%run_scoped3A : memref<!tpu.dma_semaphore, #tpu.memory_space<semaphore_mem>>) src(%dma_wait3A_50 : memref<16xi32, #tpu.memory_space<hbm>>) dst(%arg12 : memref<16xi32, #tpu.memory_space<vmem>>)
      tpu.yield
    }) : () -> ()
    "tpu.region"() ({
      %run_scoped3A = tpu.sem_alloc : memref<!tpu.dma_semaphore, #tpu.memory_space<semaphore_mem>>
      %dma_start3A_47 = arith.constant 0 : i32
      %dma_start3A_48 = arith.constant 0 : i32
      %dma_start3A_49 = tpu.memref_slice %arg16[%dma_start3A_47, %dma_start3A_48] : memref<10240x128xf32, #tpu.memory_space<vmem_shared>> -> memref<10240x128xf32, #tpu.memory_space<vmem_shared>>
      tpu.enqueue_indirect_dma source(%arg15 : memref<16x128xf32, #tpu.memory_space<vmem>>) target(%dma_start3A_49 : memref<10240x128xf32, #tpu.memory_space<vmem_shared>>) offsets(%arg12 : memref<16xi32, #tpu.memory_space<vmem>>) semaphore(%run_scoped3A : memref<!tpu.dma_semaphore, #tpu.memory_space<semaphore_mem>>) {add = true}
      %dma_wait3A_50 = arith.constant 0 : i32
      %dma_wait3A_51 = arith.constant 0 : i32
      %dma_wait3A_52 = tpu.memref_slice %arg16[%dma_wait3A_50, %dma_wait3A_51] : memref<10240x128xf32, #tpu.memory_space<vmem_shared>> -> memref<10240x128xf32, #tpu.memory_space<vmem_shared>>
      tpu.wait_indirect_dma semaphore(%run_scoped3A : memref<!tpu.dma_semaphore, #tpu.memory_space<semaphore_mem>>) src(%arg15 : memref<16x128xf32, #tpu.memory_space<vmem>>) dst(%dma_wait3A_52 : memref<10240x128xf32, #tpu.memory_space<vmem_shared>>)
      tpu.yield
    }) : () -> ()
    %barrier3A_46 = arith.constant 0 : index
    tpu.barrier barrier_id(%barrier3A_46)
    "tpu.region"() ({
      %run_scoped3A = tpu.sem_alloc : memref<!tpu.dma_semaphore, #tpu.memory_space<semaphore_mem>>
      %dma_start3A_47 = arith.constant 0 : i32
      %dma_start3A_48 = tpu.memref_slice %arg6[%arg0, %mul3A_2, %dma_start3A_47] : memref<2x10240x128xf32, #tpu.memory_space<hbm>> -> memref<1x640x128xf32, #tpu.memory_space<hbm>>
      %dma_start3A_49 = tpu.memref_squeeze %dma_start3A_48 : memref<1x640x128xf32, #tpu.memory_space<hbm>> -> memref<640x128xf32, #tpu.memory_space<hbm>>
      %dma_start3A_50 = arith.constant 0 : i32
      %dma_start3A_51 = tpu.memref_slice %arg16[%mul3A_2, %dma_start3A_50] : memref<10240x128xf32, #tpu.memory_space<vmem_shared>> -> memref<640x128xf32, #tpu.memory_space<vmem_shared>>
      tpu.enqueue_dma source(%dma_start3A_51 : memref<640x128xf32, #tpu.memory_space<vmem_shared>>) target(%dma_start3A_49 : memref<640x128xf32, #tpu.memory_space<hbm>>) target_semaphore(%run_scoped3A : memref<!tpu.dma_semaphore, #tpu.memory_space<semaphore_mem>>)
      %dma_wait3A_52 = arith.constant 0 : i32
      %dma_wait3A_53 = tpu.memref_slice %arg6[%arg0, %mul3A_2, %dma_wait3A_52] : memref<2x10240x128xf32, #tpu.memory_space<hbm>> -> memref<1x640x128xf32, #tpu.memory_space<hbm>>
      %dma_wait3A_54 = tpu.memref_squeeze %dma_wait3A_53 : memref<1x640x128xf32, #tpu.memory_space<hbm>> -> memref<640x128xf32, #tpu.memory_space<hbm>>
      %dma_wait3A_55 = arith.constant 0 : i32
      %dma_wait3A_56 = tpu.memref_slice %arg16[%mul3A_2, %dma_wait3A_55] : memref<10240x128xf32, #tpu.memory_space<vmem_shared>> -> memref<640x128xf32, #tpu.memory_space<vmem_shared>>
      tpu.wait_dma2 semaphore(%run_scoped3A : memref<!tpu.dma_semaphore, #tpu.memory_space<semaphore_mem>>) src(%dma_wait3A_56 : memref<640x128xf32, #tpu.memory_space<vmem_shared>>) dst(%dma_wait3A_54 : memref<640x128xf32, #tpu.memory_space<hbm>>)
      tpu.yield
    }) : () -> ()
    return
  }
}

#map = affine_map<(d0, d1) -> (0)>
#map1 = affine_map<(d0, d1) -> (0, 0)>
#map2 = affine_map<(d0, d1) -> (0, 0, 0)>
module attributes {stable_mosaic.version = 14 : i64} {
  func.func @_deg_body(%arg0: i32, %arg1: i32, %arg2: memref<320000xi32, #tpu.memory_space<hbm>>, %arg3: memref<320000xi32, #tpu.memory_space<hbm>>, %arg4: memref<128x128xf32, #tpu.memory_space<hbm>>, %arg5: memref<128x128xf32, #tpu.memory_space<hbm>>, %arg6: memref<10240x128xf32, #tpu.memory_space<hbm>>, %arg7: memref<2x10240x128xf32, #tpu.memory_space<hbm>>, %arg8: memref<128xi32, #tpu.memory_space<vmem>>, %arg9: memref<128xi32, #tpu.memory_space<vmem>>, %arg10: memref<16xi32, #tpu.memory_space<vmem>>, %arg11: memref<16xi32, #tpu.memory_space<vmem>>, %arg12: memref<128x128xf32, #tpu.memory_space<vmem>>, %arg13: memref<128x128xf32, #tpu.memory_space<vmem>>, %arg14: memref<10240x128xf32, #tpu.memory_space<vmem_shared>>) attributes {dimension_semantics = [#tpu.dimension_semantics<core_parallel>, #tpu.dimension_semantics<subcore_parallel>], iteration_bounds = array<i64: 2, 16>, scalar_prefetch = 0 : i64, scratch_operands = 7 : i64, tpu.core_type = #tpu.core_type<sc_vector_subcore>, window_params = [{transform_indices = #map}, {transform_indices = #map}, {transform_indices = #map1}, {transform_indices = #map1}, {transform_indices = #map1}, {transform_indices = #map2}]} {
    %mul3A = arith.constant 2 : i32
    %mul3A_0 = arith.muli %arg1, %mul3A : i32
    %add3A = arith.addi %mul3A_0, %arg0 : i32
    %mul3A_1 = arith.constant 640 : i32
    %mul3A_2 = arith.muli %arg1, %mul3A_1 : i32
    "tpu.region"() ({
      %run_scoped3A = tpu.sem_alloc : memref<!tpu.dma_semaphore, #tpu.memory_space<semaphore_mem>>
      %dma_start3A = arith.constant 0 : i32
      %dma_start3A_13 = tpu.memref_slice %arg14[%mul3A_2, %dma_start3A] : memref<10240x128xf32, #tpu.memory_space<vmem_shared>> -> memref<640x128xf32, #tpu.memory_space<vmem_shared>>
      %dma_start3A_14 = arith.constant 0 : i32
      %dma_start3A_15 = tpu.memref_slice %arg6[%mul3A_2, %dma_start3A_14] : memref<10240x128xf32, #tpu.memory_space<hbm>> -> memref<640x128xf32, #tpu.memory_space<hbm>>
      tpu.enqueue_dma source(%dma_start3A_15 : memref<640x128xf32, #tpu.memory_space<hbm>>) target(%dma_start3A_13 : memref<640x128xf32, #tpu.memory_space<vmem_shared>>) target_semaphore(%run_scoped3A : memref<!tpu.dma_semaphore, #tpu.memory_space<semaphore_mem>>)
      %dma_wait3A = arith.constant 0 : i32
      %dma_wait3A_16 = tpu.memref_slice %arg14[%mul3A_2, %dma_wait3A] : memref<10240x128xf32, #tpu.memory_space<vmem_shared>> -> memref<640x128xf32, #tpu.memory_space<vmem_shared>>
      %dma_wait3A_17 = arith.constant 0 : i32
      %dma_wait3A_18 = tpu.memref_slice %arg6[%mul3A_2, %dma_wait3A_17] : memref<10240x128xf32, #tpu.memory_space<hbm>> -> memref<640x128xf32, #tpu.memory_space<hbm>>
      tpu.wait_dma2 semaphore(%run_scoped3A : memref<!tpu.dma_semaphore, #tpu.memory_space<semaphore_mem>>) src(%dma_wait3A_18 : memref<640x128xf32, #tpu.memory_space<hbm>>) dst(%dma_wait3A_16 : memref<640x128xf32, #tpu.memory_space<vmem_shared>>)
      tpu.yield
    }) : () -> ()
    "tpu.region"() ({
      %run_scoped3A = tpu.sem_alloc : memref<!tpu.dma_semaphore, #tpu.memory_space<semaphore_mem>>
      tpu.enqueue_dma source(%arg4 : memref<128x128xf32, #tpu.memory_space<hbm>>) target(%arg12 : memref<128x128xf32, #tpu.memory_space<vmem>>) target_semaphore(%run_scoped3A : memref<!tpu.dma_semaphore, #tpu.memory_space<semaphore_mem>>)
      tpu.wait_dma2 semaphore(%run_scoped3A : memref<!tpu.dma_semaphore, #tpu.memory_space<semaphore_mem>>) src(%arg4 : memref<128x128xf32, #tpu.memory_space<hbm>>) dst(%arg12 : memref<128x128xf32, #tpu.memory_space<vmem>>)
      tpu.yield
    }) : () -> ()
    "tpu.region"() ({
      %run_scoped3A = tpu.sem_alloc : memref<!tpu.dma_semaphore, #tpu.memory_space<semaphore_mem>>
      tpu.enqueue_dma source(%arg5 : memref<128x128xf32, #tpu.memory_space<hbm>>) target(%arg13 : memref<128x128xf32, #tpu.memory_space<vmem>>) target_semaphore(%run_scoped3A : memref<!tpu.dma_semaphore, #tpu.memory_space<semaphore_mem>>)
      tpu.wait_dma2 semaphore(%run_scoped3A : memref<!tpu.dma_semaphore, #tpu.memory_space<semaphore_mem>>) src(%arg5 : memref<128x128xf32, #tpu.memory_space<hbm>>) dst(%arg13 : memref<128x128xf32, #tpu.memory_space<vmem>>)
      tpu.yield
    }) : () -> ()
    %barrier3A = arith.constant 0 : index
    tpu.barrier barrier_id(%barrier3A)
    %mul3A_3 = arith.constant 10000 : i32
    %mul3A_4 = arith.muli %add3A, %mul3A_3 : i32
    %scan3A = arith.constant 0 : i32
    %scan3A_5 = arith.constant 0 : i32
    %scan3A_6 = arith.constant 78 : i32
    %scan3A_7 = arith.addi %scan3A_5, %scan3A_6 : i32
    %scan3A_8 = arith.constant 1 : i32
    scf.for %scan3A_13 = %scan3A_5 to %scan3A_7 step %scan3A_8  : i32 {
      %mul3A_14 = arith.constant 128 : i32
      %mul3A_15 = arith.muli %scan3A_13, %mul3A_14 : i32
      %add3A_16 = arith.addi %mul3A_4, %mul3A_15 : i32
      "tpu.region"() ({
        %run_scoped3A = tpu.sem_alloc : memref<!tpu.dma_semaphore, #tpu.memory_space<semaphore_mem>>
        %dma_start3A = tpu.memref_slice %arg2[%add3A_16] : memref<320000xi32, #tpu.memory_space<hbm>> -> memref<128xi32, #tpu.memory_space<hbm>>
        %dma_start3A_17 = tpu.memref_slice %arg2[%add3A_16] : memref<320000xi32, #tpu.memory_space<hbm>> -> memref<128xi32, #tpu.memory_space<hbm>>
        tpu.enqueue_dma source(%dma_start3A_17 : memref<128xi32, #tpu.memory_space<hbm>>) target(%arg8 : memref<128xi32, #tpu.memory_space<vmem>>) target_semaphore(%run_scoped3A : memref<!tpu.dma_semaphore, #tpu.memory_space<semaphore_mem>>)
        %dma_wait3A = tpu.memref_slice %arg2[%add3A_16] : memref<320000xi32, #tpu.memory_space<hbm>> -> memref<128xi32, #tpu.memory_space<hbm>>
        %dma_wait3A_18 = tpu.memref_slice %arg2[%add3A_16] : memref<320000xi32, #tpu.memory_space<hbm>> -> memref<128xi32, #tpu.memory_space<hbm>>
        tpu.wait_dma2 semaphore(%run_scoped3A : memref<!tpu.dma_semaphore, #tpu.memory_space<semaphore_mem>>) src(%dma_wait3A_18 : memref<128xi32, #tpu.memory_space<hbm>>) dst(%arg8 : memref<128xi32, #tpu.memory_space<vmem>>)
        tpu.yield
      }) : () -> ()
      "tpu.region"() ({
        %run_scoped3A = tpu.sem_alloc : memref<!tpu.dma_semaphore, #tpu.memory_space<semaphore_mem>>
        %dma_start3A = arith.constant 0 : i32
        %dma_start3A_17 = arith.constant 0 : i32
        %dma_start3A_18 = tpu.memref_slice %arg14[%dma_start3A, %dma_start3A_17] : memref<10240x128xf32, #tpu.memory_space<vmem_shared>> -> memref<10240x128xf32, #tpu.memory_space<vmem_shared>>
        tpu.enqueue_indirect_dma source(%arg12 : memref<128x128xf32, #tpu.memory_space<vmem>>) target(%dma_start3A_18 : memref<10240x128xf32, #tpu.memory_space<vmem_shared>>) offsets(%arg8 : memref<128xi32, #tpu.memory_space<vmem>>) semaphore(%run_scoped3A : memref<!tpu.dma_semaphore, #tpu.memory_space<semaphore_mem>>) {add = true}
        %dma_wait3A = arith.constant 0 : i32
        %dma_wait3A_19 = arith.constant 0 : i32
        %dma_wait3A_20 = tpu.memref_slice %arg14[%dma_wait3A, %dma_wait3A_19] : memref<10240x128xf32, #tpu.memory_space<vmem_shared>> -> memref<10240x128xf32, #tpu.memory_space<vmem_shared>>
        tpu.wait_indirect_dma semaphore(%run_scoped3A : memref<!tpu.dma_semaphore, #tpu.memory_space<semaphore_mem>>) src(%arg12 : memref<128x128xf32, #tpu.memory_space<vmem>>) dst(%dma_wait3A_20 : memref<10240x128xf32, #tpu.memory_space<vmem_shared>>)
        tpu.yield
      }) : () -> ()
      "tpu.region"() ({
        %run_scoped3A = tpu.sem_alloc : memref<!tpu.dma_semaphore, #tpu.memory_space<semaphore_mem>>
        %dma_start3A = tpu.memref_slice %arg3[%add3A_16] : memref<320000xi32, #tpu.memory_space<hbm>> -> memref<128xi32, #tpu.memory_space<hbm>>
        %dma_start3A_17 = tpu.memref_slice %arg3[%add3A_16] : memref<320000xi32, #tpu.memory_space<hbm>> -> memref<128xi32, #tpu.memory_space<hbm>>
        tpu.enqueue_dma source(%dma_start3A_17 : memref<128xi32, #tpu.memory_space<hbm>>) target(%arg9 : memref<128xi32, #tpu.memory_space<vmem>>) target_semaphore(%run_scoped3A : memref<!tpu.dma_semaphore, #tpu.memory_space<semaphore_mem>>)
        %dma_wait3A = tpu.memref_slice %arg3[%add3A_16] : memref<320000xi32, #tpu.memory_space<hbm>> -> memref<128xi32, #tpu.memory_space<hbm>>
        %dma_wait3A_18 = tpu.memref_slice %arg3[%add3A_16] : memref<320000xi32, #tpu.memory_space<hbm>> -> memref<128xi32, #tpu.memory_space<hbm>>
        tpu.wait_dma2 semaphore(%run_scoped3A : memref<!tpu.dma_semaphore, #tpu.memory_space<semaphore_mem>>) src(%dma_wait3A_18 : memref<128xi32, #tpu.memory_space<hbm>>) dst(%arg9 : memref<128xi32, #tpu.memory_space<vmem>>)
        tpu.yield
      }) : () -> ()
      "tpu.region"() ({
        %run_scoped3A = tpu.sem_alloc : memref<!tpu.dma_semaphore, #tpu.memory_space<semaphore_mem>>
        %dma_start3A = arith.constant 0 : i32
        %dma_start3A_17 = arith.constant 0 : i32
        %dma_start3A_18 = tpu.memref_slice %arg14[%dma_start3A, %dma_start3A_17] : memref<10240x128xf32, #tpu.memory_space<vmem_shared>> -> memref<10240x128xf32, #tpu.memory_space<vmem_shared>>
        tpu.enqueue_indirect_dma source(%arg13 : memref<128x128xf32, #tpu.memory_space<vmem>>) target(%dma_start3A_18 : memref<10240x128xf32, #tpu.memory_space<vmem_shared>>) offsets(%arg9 : memref<128xi32, #tpu.memory_space<vmem>>) semaphore(%run_scoped3A : memref<!tpu.dma_semaphore, #tpu.memory_space<semaphore_mem>>) {add = true}
        %dma_wait3A = arith.constant 0 : i32
        %dma_wait3A_19 = arith.constant 0 : i32
        %dma_wait3A_20 = tpu.memref_slice %arg14[%dma_wait3A, %dma_wait3A_19] : memref<10240x128xf32, #tpu.memory_space<vmem_shared>> -> memref<10240x128xf32, #tpu.memory_space<vmem_shared>>
        tpu.wait_indirect_dma semaphore(%run_scoped3A : memref<!tpu.dma_semaphore, #tpu.memory_space<semaphore_mem>>) src(%arg13 : memref<128x128xf32, #tpu.memory_space<vmem>>) dst(%dma_wait3A_20 : memref<10240x128xf32, #tpu.memory_space<vmem_shared>>)
        tpu.yield
      }) : () -> ()
    }
    %scan3A_9 = arith.constant 78 : i32
    %add3A_10 = arith.constant 9984 : i32
    %add3A_11 = arith.addi %mul3A_4, %add3A_10 : i32
    "tpu.region"() ({
      %run_scoped3A = tpu.sem_alloc : memref<!tpu.dma_semaphore, #tpu.memory_space<semaphore_mem>>
      %dma_start3A = tpu.memref_slice %arg2[%add3A_11] : memref<320000xi32, #tpu.memory_space<hbm>> -> memref<16xi32, #tpu.memory_space<hbm>>
      %dma_start3A_13 = tpu.memref_slice %arg2[%add3A_11] : memref<320000xi32, #tpu.memory_space<hbm>> -> memref<16xi32, #tpu.memory_space<hbm>>
      tpu.enqueue_dma source(%dma_start3A_13 : memref<16xi32, #tpu.memory_space<hbm>>) target(%arg10 : memref<16xi32, #tpu.memory_space<vmem>>) target_semaphore(%run_scoped3A : memref<!tpu.dma_semaphore, #tpu.memory_space<semaphore_mem>>)
      %dma_wait3A = tpu.memref_slice %arg2[%add3A_11] : memref<320000xi32, #tpu.memory_space<hbm>> -> memref<16xi32, #tpu.memory_space<hbm>>
      %dma_wait3A_14 = tpu.memref_slice %arg2[%add3A_11] : memref<320000xi32, #tpu.memory_space<hbm>> -> memref<16xi32, #tpu.memory_space<hbm>>
      tpu.wait_dma2 semaphore(%run_scoped3A : memref<!tpu.dma_semaphore, #tpu.memory_space<semaphore_mem>>) src(%dma_wait3A_14 : memref<16xi32, #tpu.memory_space<hbm>>) dst(%arg10 : memref<16xi32, #tpu.memory_space<vmem>>)
      tpu.yield
    }) : () -> ()
    "tpu.region"() ({
      %run_scoped3A = tpu.sem_alloc : memref<!tpu.dma_semaphore, #tpu.memory_space<semaphore_mem>>
      %dma_start3A = arith.constant 0 : i32
      %dma_start3A_13 = arith.constant 0 : i32
      %dma_start3A_14 = tpu.memref_slice %arg12[%dma_start3A, %dma_start3A_13] : memref<128x128xf32, #tpu.memory_space<vmem>> -> memref<16x128xf32, #tpu.memory_space<vmem>>
      %dma_start3A_15 = arith.constant 0 : i32
      %dma_start3A_16 = arith.constant 0 : i32
      %dma_start3A_17 = tpu.memref_slice %arg14[%dma_start3A_15, %dma_start3A_16] : memref<10240x128xf32, #tpu.memory_space<vmem_shared>> -> memref<10240x128xf32, #tpu.memory_space<vmem_shared>>
      tpu.enqueue_indirect_dma source(%dma_start3A_14 : memref<16x128xf32, #tpu.memory_space<vmem>>) target(%dma_start3A_17 : memref<10240x128xf32, #tpu.memory_space<vmem_shared>>) offsets(%arg10 : memref<16xi32, #tpu.memory_space<vmem>>) semaphore(%run_scoped3A : memref<!tpu.dma_semaphore, #tpu.memory_space<semaphore_mem>>) {add = true}
      %dma_wait3A = arith.constant 0 : i32
      %dma_wait3A_18 = arith.constant 0 : i32
      %dma_wait3A_19 = tpu.memref_slice %arg12[%dma_wait3A, %dma_wait3A_18] : memref<128x128xf32, #tpu.memory_space<vmem>> -> memref<16x128xf32, #tpu.memory_space<vmem>>
      %dma_wait3A_20 = arith.constant 0 : i32
      %dma_wait3A_21 = arith.constant 0 : i32
      %dma_wait3A_22 = tpu.memref_slice %arg14[%dma_wait3A_20, %dma_wait3A_21] : memref<10240x128xf32, #tpu.memory_space<vmem_shared>> -> memref<10240x128xf32, #tpu.memory_space<vmem_shared>>
      tpu.wait_indirect_dma semaphore(%run_scoped3A : memref<!tpu.dma_semaphore, #tpu.memory_space<semaphore_mem>>) src(%dma_wait3A_19 : memref<16x128xf32, #tpu.memory_space<vmem>>) dst(%dma_wait3A_22 : memref<10240x128xf32, #tpu.memory_space<vmem_shared>>)
      tpu.yield
    }) : () -> ()
    "tpu.region"() ({
      %run_scoped3A = tpu.sem_alloc : memref<!tpu.dma_semaphore, #tpu.memory_space<semaphore_mem>>
      %dma_start3A = tpu.memref_slice %arg3[%add3A_11] : memref<320000xi32, #tpu.memory_space<hbm>> -> memref<16xi32, #tpu.memory_space<hbm>>
      %dma_start3A_13 = tpu.memref_slice %arg3[%add3A_11] : memref<320000xi32, #tpu.memory_space<hbm>> -> memref<16xi32, #tpu.memory_space<hbm>>
      tpu.enqueue_dma source(%dma_start3A_13 : memref<16xi32, #tpu.memory_space<hbm>>) target(%arg11 : memref<16xi32, #tpu.memory_space<vmem>>) target_semaphore(%run_scoped3A : memref<!tpu.dma_semaphore, #tpu.memory_space<semaphore_mem>>)
      %dma_wait3A = tpu.memref_slice %arg3[%add3A_11] : memref<320000xi32, #tpu.memory_space<hbm>> -> memref<16xi32, #tpu.memory_space<hbm>>
      %dma_wait3A_14 = tpu.memref_slice %arg3[%add3A_11] : memref<320000xi32, #tpu.memory_space<hbm>> -> memref<16xi32, #tpu.memory_space<hbm>>
      tpu.wait_dma2 semaphore(%run_scoped3A : memref<!tpu.dma_semaphore, #tpu.memory_space<semaphore_mem>>) src(%dma_wait3A_14 : memref<16xi32, #tpu.memory_space<hbm>>) dst(%arg11 : memref<16xi32, #tpu.memory_space<vmem>>)
      tpu.yield
    }) : () -> ()
    "tpu.region"() ({
      %run_scoped3A = tpu.sem_alloc : memref<!tpu.dma_semaphore, #tpu.memory_space<semaphore_mem>>
      %dma_start3A = arith.constant 0 : i32
      %dma_start3A_13 = arith.constant 0 : i32
      %dma_start3A_14 = tpu.memref_slice %arg13[%dma_start3A, %dma_start3A_13] : memref<128x128xf32, #tpu.memory_space<vmem>> -> memref<16x128xf32, #tpu.memory_space<vmem>>
      %dma_start3A_15 = arith.constant 0 : i32
      %dma_start3A_16 = arith.constant 0 : i32
      %dma_start3A_17 = tpu.memref_slice %arg14[%dma_start3A_15, %dma_start3A_16] : memref<10240x128xf32, #tpu.memory_space<vmem_shared>> -> memref<10240x128xf32, #tpu.memory_space<vmem_shared>>
      tpu.enqueue_indirect_dma source(%dma_start3A_14 : memref<16x128xf32, #tpu.memory_space<vmem>>) target(%dma_start3A_17 : memref<10240x128xf32, #tpu.memory_space<vmem_shared>>) offsets(%arg11 : memref<16xi32, #tpu.memory_space<vmem>>) semaphore(%run_scoped3A : memref<!tpu.dma_semaphore, #tpu.memory_space<semaphore_mem>>) {add = true}
      %dma_wait3A = arith.constant 0 : i32
      %dma_wait3A_18 = arith.constant 0 : i32
      %dma_wait3A_19 = tpu.memref_slice %arg13[%dma_wait3A, %dma_wait3A_18] : memref<128x128xf32, #tpu.memory_space<vmem>> -> memref<16x128xf32, #tpu.memory_space<vmem>>
      %dma_wait3A_20 = arith.constant 0 : i32
      %dma_wait3A_21 = arith.constant 0 : i32
      %dma_wait3A_22 = tpu.memref_slice %arg14[%dma_wait3A_20, %dma_wait3A_21] : memref<10240x128xf32, #tpu.memory_space<vmem_shared>> -> memref<10240x128xf32, #tpu.memory_space<vmem_shared>>
      tpu.wait_indirect_dma semaphore(%run_scoped3A : memref<!tpu.dma_semaphore, #tpu.memory_space<semaphore_mem>>) src(%dma_wait3A_19 : memref<16x128xf32, #tpu.memory_space<vmem>>) dst(%dma_wait3A_22 : memref<10240x128xf32, #tpu.memory_space<vmem_shared>>)
      tpu.yield
    }) : () -> ()
    %barrier3A_12 = arith.constant 0 : index
    tpu.barrier barrier_id(%barrier3A_12)
    "tpu.region"() ({
      %run_scoped3A = tpu.sem_alloc : memref<!tpu.dma_semaphore, #tpu.memory_space<semaphore_mem>>
      %dma_start3A = arith.constant 0 : i32
      %dma_start3A_13 = tpu.memref_slice %arg7[%arg0, %mul3A_2, %dma_start3A] : memref<2x10240x128xf32, #tpu.memory_space<hbm>> -> memref<1x640x128xf32, #tpu.memory_space<hbm>>
      %dma_start3A_14 = tpu.memref_squeeze %dma_start3A_13 : memref<1x640x128xf32, #tpu.memory_space<hbm>> -> memref<640x128xf32, #tpu.memory_space<hbm>>
      %dma_start3A_15 = arith.constant 0 : i32
      %dma_start3A_16 = tpu.memref_slice %arg14[%mul3A_2, %dma_start3A_15] : memref<10240x128xf32, #tpu.memory_space<vmem_shared>> -> memref<640x128xf32, #tpu.memory_space<vmem_shared>>
      tpu.enqueue_dma source(%dma_start3A_16 : memref<640x128xf32, #tpu.memory_space<vmem_shared>>) target(%dma_start3A_14 : memref<640x128xf32, #tpu.memory_space<hbm>>) target_semaphore(%run_scoped3A : memref<!tpu.dma_semaphore, #tpu.memory_space<semaphore_mem>>)
      %dma_wait3A = arith.constant 0 : i32
      %dma_wait3A_17 = tpu.memref_slice %arg7[%arg0, %mul3A_2, %dma_wait3A] : memref<2x10240x128xf32, #tpu.memory_space<hbm>> -> memref<1x640x128xf32, #tpu.memory_space<hbm>>
      %dma_wait3A_18 = tpu.memref_squeeze %dma_wait3A_17 : memref<1x640x128xf32, #tpu.memory_space<hbm>> -> memref<640x128xf32, #tpu.memory_space<hbm>>
      %dma_wait3A_19 = arith.constant 0 : i32
      %dma_wait3A_20 = tpu.memref_slice %arg14[%mul3A_2, %dma_wait3A_19] : memref<10240x128xf32, #tpu.memory_space<vmem_shared>> -> memref<640x128xf32, #tpu.memory_space<vmem_shared>>
      tpu.wait_dma2 semaphore(%run_scoped3A : memref<!tpu.dma_semaphore, #tpu.memory_space<semaphore_mem>>) src(%dma_wait3A_20 : memref<640x128xf32, #tpu.memory_space<vmem_shared>>) dst(%dma_wait3A_18 : memref<640x128xf32, #tpu.memory_space<hbm>>)
      tpu.yield
    }) : () -> ()
    return
  }
}

#map = affine_map<(d0, d1) -> (0, 0)>
#map1 = affine_map<(d0, d1) -> (0)>
#map2 = affine_map<(d0, d1) -> (0, 0, 0)>
module attributes {stable_mosaic.version = 14 : i64} {
  func.func @_agg_body(%arg0: i32, %arg1: i32, %arg2: memref<10000x128xf32, #tpu.memory_space<hbm>>, %arg3: memref<320000xi32, #tpu.memory_space<hbm>>, %arg4: memref<320000xi32, #tpu.memory_space<hbm>>, %arg5: memref<10240x128xf32, #tpu.memory_space<hbm>>, %arg6: memref<2x10240x128xf32, #tpu.memory_space<hbm>>, %arg7: memref<128xi32, #tpu.memory_space<vmem>>, %arg8: memref<128xi32, #tpu.memory_space<vmem>>, %arg9: memref<128xi32, #tpu.memory_space<vmem>>, %arg10: memref<128xi32, #tpu.memory_space<vmem>>, %arg11: memref<16xi32, #tpu.memory_space<vmem>>, %arg12: memref<16xi32, #tpu.memory_space<vmem>>, %arg13: memref<128x128xf32, #tpu.memory_space<vmem>>, %arg14: memref<128x128xf32, #tpu.memory_space<vmem>>, %arg15: memref<16x128xf32, #tpu.memory_space<vmem>>, %arg16: memref<10240x128xf32, #tpu.memory_space<vmem_shared>>, %arg17: memref<!tpu.dma_semaphore, #tpu.memory_space<semaphore_mem>>, %arg18: memref<!tpu.dma_semaphore, #tpu.memory_space<semaphore_mem>>, %arg19: memref<!tpu.dma_semaphore, #tpu.memory_space<semaphore_mem>>, %arg20: memref<!tpu.dma_semaphore, #tpu.memory_space<semaphore_mem>>) attributes {dimension_semantics = [#tpu.dimension_semantics<core_parallel>, #tpu.dimension_semantics<subcore_parallel>], iteration_bounds = array<i64: 2, 16>, scalar_prefetch = 0 : i64, scratch_operands = 14 : i64, tpu.core_type = #tpu.core_type<sc_vector_subcore>, window_params = [{transform_indices = #map}, {transform_indices = #map1}, {transform_indices = #map1}, {transform_indices = #map}, {transform_indices = #map2}]} {
    %mul3A = arith.constant 2 : i32
    %mul3A_0 = arith.muli %arg1, %mul3A : i32
    %add3A = arith.addi %mul3A_0, %arg0 : i32
    %mul3A_1 = arith.constant 640 : i32
    %mul3A_2 = arith.muli %arg1, %mul3A_1 : i32
    "tpu.region"() ({
      %run_scoped3A = tpu.sem_alloc : memref<!tpu.dma_semaphore, #tpu.memory_space<semaphore_mem>>
      %dma_start3A_47 = arith.constant 0 : i32
      %dma_start3A_48 = tpu.memref_slice %arg16[%mul3A_2, %dma_start3A_47] : memref<10240x128xf32, #tpu.memory_space<vmem_shared>> -> memref<640x128xf32, #tpu.memory_space<vmem_shared>>
      %dma_start3A_49 = arith.constant 0 : i32
      %dma_start3A_50 = tpu.memref_slice %arg5[%mul3A_2, %dma_start3A_49] : memref<10240x128xf32, #tpu.memory_space<hbm>> -> memref<640x128xf32, #tpu.memory_space<hbm>>
      tpu.enqueue_dma source(%dma_start3A_50 : memref<640x128xf32, #tpu.memory_space<hbm>>) target(%dma_start3A_48 : memref<640x128xf32, #tpu.memory_space<vmem_shared>>) target_semaphore(%run_scoped3A : memref<!tpu.dma_semaphore, #tpu.memory_space<semaphore_mem>>)
      %dma_wait3A_51 = arith.constant 0 : i32
      %dma_wait3A_52 = tpu.memref_slice %arg16[%mul3A_2, %dma_wait3A_51] : memref<10240x128xf32, #tpu.memory_space<vmem_shared>> -> memref<640x128xf32, #tpu.memory_space<vmem_shared>>
      %dma_wait3A_53 = arith.constant 0 : i32
      %dma_wait3A_54 = tpu.memref_slice %arg5[%mul3A_2, %dma_wait3A_53] : memref<10240x128xf32, #tpu.memory_space<hbm>> -> memref<640x128xf32, #tpu.memory_space<hbm>>
      tpu.wait_dma2 semaphore(%run_scoped3A : memref<!tpu.dma_semaphore, #tpu.memory_space<semaphore_mem>>) src(%dma_wait3A_54 : memref<640x128xf32, #tpu.memory_space<hbm>>) dst(%dma_wait3A_52 : memref<640x128xf32, #tpu.memory_space<vmem_shared>>)
      tpu.yield
    }) : () -> ()
    %barrier3A = arith.constant 0 : index
    tpu.barrier barrier_id(%barrier3A)
    %mul3A_3 = arith.constant 10000 : i32
    %mul3A_4 = arith.muli %add3A, %mul3A_3 : i32
    "tpu.region"() ({
      %run_scoped3A = tpu.sem_alloc : memref<!tpu.dma_semaphore, #tpu.memory_space<semaphore_mem>>
      %dma_start3A_47 = tpu.memref_slice %arg3[%mul3A_4] : memref<320000xi32, #tpu.memory_space<hbm>> -> memref<128xi32, #tpu.memory_space<hbm>>
      %dma_start3A_48 = tpu.memref_slice %arg3[%mul3A_4] : memref<320000xi32, #tpu.memory_space<hbm>> -> memref<128xi32, #tpu.memory_space<hbm>>
      tpu.enqueue_dma source(%dma_start3A_48 : memref<128xi32, #tpu.memory_space<hbm>>) target(%arg7 : memref<128xi32, #tpu.memory_space<vmem>>) target_semaphore(%run_scoped3A : memref<!tpu.dma_semaphore, #tpu.memory_space<semaphore_mem>>)
      %dma_wait3A_49 = tpu.memref_slice %arg3[%mul3A_4] : memref<320000xi32, #tpu.memory_space<hbm>> -> memref<128xi32, #tpu.memory_space<hbm>>
      %dma_wait3A_50 = tpu.memref_slice %arg3[%mul3A_4] : memref<320000xi32, #tpu.memory_space<hbm>> -> memref<128xi32, #tpu.memory_space<hbm>>
      tpu.wait_dma2 semaphore(%run_scoped3A : memref<!tpu.dma_semaphore, #tpu.memory_space<semaphore_mem>>) src(%dma_wait3A_50 : memref<128xi32, #tpu.memory_space<hbm>>) dst(%arg7 : memref<128xi32, #tpu.memory_space<vmem>>)
      tpu.yield
    }) : () -> ()
    %dma_start3A = arith.constant 0 : i32
    %dma_start3A_5 = arith.constant 0 : i32
    %dma_start3A_6 = tpu.memref_slice %arg2[%dma_start3A, %dma_start3A_5] : memref<10000x128xf32, #tpu.memory_space<hbm>> -> memref<10000x128xf32, #tpu.memory_space<hbm>>
    tpu.enqueue_indirect_dma source(%dma_start3A_6 : memref<10000x128xf32, #tpu.memory_space<hbm>>) target(%arg13 : memref<128x128xf32, #tpu.memory_space<vmem>>) offsets(%arg7 : memref<128xi32, #tpu.memory_space<vmem>>) semaphore(%arg17 : memref<!tpu.dma_semaphore, #tpu.memory_space<semaphore_mem>>)
    %add3A_7 = arith.constant 128 : i32
    %add3A_8 = arith.addi %mul3A_4, %add3A_7 : i32
    "tpu.region"() ({
      %run_scoped3A = tpu.sem_alloc : memref<!tpu.dma_semaphore, #tpu.memory_space<semaphore_mem>>
      %dma_start3A_47 = tpu.memref_slice %arg3[%add3A_8] : memref<320000xi32, #tpu.memory_space<hbm>> -> memref<128xi32, #tpu.memory_space<hbm>>
      %dma_start3A_48 = tpu.memref_slice %arg3[%add3A_8] : memref<320000xi32, #tpu.memory_space<hbm>> -> memref<128xi32, #tpu.memory_space<hbm>>
      tpu.enqueue_dma source(%dma_start3A_48 : memref<128xi32, #tpu.memory_space<hbm>>) target(%arg8 : memref<128xi32, #tpu.memory_space<vmem>>) target_semaphore(%run_scoped3A : memref<!tpu.dma_semaphore, #tpu.memory_space<semaphore_mem>>)
      %dma_wait3A_49 = tpu.memref_slice %arg3[%add3A_8] : memref<320000xi32, #tpu.memory_space<hbm>> -> memref<128xi32, #tpu.memory_space<hbm>>
      %dma_wait3A_50 = tpu.memref_slice %arg3[%add3A_8] : memref<320000xi32, #tpu.memory_space<hbm>> -> memref<128xi32, #tpu.memory_space<hbm>>
      tpu.wait_dma2 semaphore(%run_scoped3A : memref<!tpu.dma_semaphore, #tpu.memory_space<semaphore_mem>>) src(%dma_wait3A_50 : memref<128xi32, #tpu.memory_space<hbm>>) dst(%arg8 : memref<128xi32, #tpu.memory_space<vmem>>)
      tpu.yield
    }) : () -> ()
    %dma_start3A_9 = arith.constant 0 : i32
    %dma_start3A_10 = arith.constant 0 : i32
    %dma_start3A_11 = tpu.memref_slice %arg2[%dma_start3A_9, %dma_start3A_10] : memref<10000x128xf32, #tpu.memory_space<hbm>> -> memref<10000x128xf32, #tpu.memory_space<hbm>>
    tpu.enqueue_indirect_dma source(%dma_start3A_11 : memref<10000x128xf32, #tpu.memory_space<hbm>>) target(%arg14 : memref<128x128xf32, #tpu.memory_space<vmem>>) offsets(%arg8 : memref<128xi32, #tpu.memory_space<vmem>>) semaphore(%arg18 : memref<!tpu.dma_semaphore, #tpu.memory_space<semaphore_mem>>)
    %scan3A = arith.constant 0 : i32
    %scan3A_12 = arith.constant 0 : i32
    %scan3A_13 = arith.constant 38 : i32
    %scan3A_14 = arith.addi %scan3A_12, %scan3A_13 : i32
    %scan3A_15 = arith.constant 1 : i32
    scf.for %scan3A_47 = %scan3A_12 to %scan3A_14 step %scan3A_15  : i32 {
      %mul3A_48 = arith.constant 2 : i32
      %mul3A_49 = arith.muli %mul3A_48, %scan3A_47 : i32
      %mul3A_50 = arith.constant 128 : i32
      %mul3A_51 = arith.muli %mul3A_49, %mul3A_50 : i32
      %add3A_52 = arith.addi %mul3A_4, %mul3A_51 : i32
      %dma_wait3A_53 = arith.constant 0 : i32
      %dma_wait3A_54 = arith.constant 0 : i32
      %dma_wait3A_55 = tpu.memref_slice %arg2[%dma_wait3A_53, %dma_wait3A_54] : memref<10000x128xf32, #tpu.memory_space<hbm>> -> memref<10000x128xf32, #tpu.memory_space<hbm>>
      tpu.wait_indirect_dma semaphore(%arg17 : memref<!tpu.dma_semaphore, #tpu.memory_space<semaphore_mem>>) src(%dma_wait3A_55 : memref<10000x128xf32, #tpu.memory_space<hbm>>) dst(%arg13 : memref<128x128xf32, #tpu.memory_space<vmem>>)
      "tpu.region"() ({
        %run_scoped3A = tpu.sem_alloc : memref<!tpu.dma_semaphore, #tpu.memory_space<semaphore_mem>>
        %dma_start3A_83 = tpu.memref_slice %arg4[%add3A_52] : memref<320000xi32, #tpu.memory_space<hbm>> -> memref<128xi32, #tpu.memory_space<hbm>>
        %dma_start3A_84 = tpu.memref_slice %arg4[%add3A_52] : memref<320000xi32, #tpu.memory_space<hbm>> -> memref<128xi32, #tpu.memory_space<hbm>>
        tpu.enqueue_dma source(%dma_start3A_84 : memref<128xi32, #tpu.memory_space<hbm>>) target(%arg9 : memref<128xi32, #tpu.memory_space<vmem>>) target_semaphore(%run_scoped3A : memref<!tpu.dma_semaphore, #tpu.memory_space<semaphore_mem>>)
        %dma_wait3A_85 = tpu.memref_slice %arg4[%add3A_52] : memref<320000xi32, #tpu.memory_space<hbm>> -> memref<128xi32, #tpu.memory_space<hbm>>
        %dma_wait3A_86 = tpu.memref_slice %arg4[%add3A_52] : memref<320000xi32, #tpu.memory_space<hbm>> -> memref<128xi32, #tpu.memory_space<hbm>>
        tpu.wait_dma2 semaphore(%run_scoped3A : memref<!tpu.dma_semaphore, #tpu.memory_space<semaphore_mem>>) src(%dma_wait3A_86 : memref<128xi32, #tpu.memory_space<hbm>>) dst(%arg9 : memref<128xi32, #tpu.memory_space<vmem>>)
        tpu.yield
      }) : () -> ()
      %dma_start3A_56 = arith.constant 0 : i32
      %dma_start3A_57 = arith.constant 0 : i32
      %dma_start3A_58 = tpu.memref_slice %arg16[%dma_start3A_56, %dma_start3A_57] : memref<10240x128xf32, #tpu.memory_space<vmem_shared>> -> memref<10240x128xf32, #tpu.memory_space<vmem_shared>>
      tpu.enqueue_indirect_dma source(%arg13 : memref<128x128xf32, #tpu.memory_space<vmem>>) target(%dma_start3A_58 : memref<10240x128xf32, #tpu.memory_space<vmem_shared>>) offsets(%arg9 : memref<128xi32, #tpu.memory_space<vmem>>) semaphore(%arg19 : memref<!tpu.dma_semaphore, #tpu.memory_space<semaphore_mem>>) {add = true}
      %add3A_59 = arith.constant 128 : i32
      %add3A_60 = arith.addi %add3A_52, %add3A_59 : i32
      %dma_wait3A_61 = arith.constant 0 : i32
      %dma_wait3A_62 = arith.constant 0 : i32
      %dma_wait3A_63 = tpu.memref_slice %arg2[%dma_wait3A_61, %dma_wait3A_62] : memref<10000x128xf32, #tpu.memory_space<hbm>> -> memref<10000x128xf32, #tpu.memory_space<hbm>>
      tpu.wait_indirect_dma semaphore(%arg18 : memref<!tpu.dma_semaphore, #tpu.memory_space<semaphore_mem>>) src(%dma_wait3A_63 : memref<10000x128xf32, #tpu.memory_space<hbm>>) dst(%arg14 : memref<128x128xf32, #tpu.memory_space<vmem>>)
      "tpu.region"() ({
        %run_scoped3A = tpu.sem_alloc : memref<!tpu.dma_semaphore, #tpu.memory_space<semaphore_mem>>
        %dma_start3A_83 = tpu.memref_slice %arg4[%add3A_60] : memref<320000xi32, #tpu.memory_space<hbm>> -> memref<128xi32, #tpu.memory_space<hbm>>
        %dma_start3A_84 = tpu.memref_slice %arg4[%add3A_60] : memref<320000xi32, #tpu.memory_space<hbm>> -> memref<128xi32, #tpu.memory_space<hbm>>
        tpu.enqueue_dma source(%dma_start3A_84 : memref<128xi32, #tpu.memory_space<hbm>>) target(%arg10 : memref<128xi32, #tpu.memory_space<vmem>>) target_semaphore(%run_scoped3A : memref<!tpu.dma_semaphore, #tpu.memory_space<semaphore_mem>>)
        %dma_wait3A_85 = tpu.memref_slice %arg4[%add3A_60] : memref<320000xi32, #tpu.memory_space<hbm>> -> memref<128xi32, #tpu.memory_space<hbm>>
        %dma_wait3A_86 = tpu.memref_slice %arg4[%add3A_60] : memref<320000xi32, #tpu.memory_space<hbm>> -> memref<128xi32, #tpu.memory_space<hbm>>
        tpu.wait_dma2 semaphore(%run_scoped3A : memref<!tpu.dma_semaphore, #tpu.memory_space<semaphore_mem>>) src(%dma_wait3A_86 : memref<128xi32, #tpu.memory_space<hbm>>) dst(%arg10 : memref<128xi32, #tpu.memory_space<vmem>>)
        tpu.yield
      }) : () -> ()
      %dma_start3A_64 = arith.constant 0 : i32
      %dma_start3A_65 = arith.constant 0 : i32
      %dma_start3A_66 = tpu.memref_slice %arg16[%dma_start3A_64, %dma_start3A_65] : memref<10240x128xf32, #tpu.memory_space<vmem_shared>> -> memref<10240x128xf32, #tpu.memory_space<vmem_shared>>
      tpu.enqueue_indirect_dma source(%arg14 : memref<128x128xf32, #tpu.memory_space<vmem>>) target(%dma_start3A_66 : memref<10240x128xf32, #tpu.memory_space<vmem_shared>>) offsets(%arg10 : memref<128xi32, #tpu.memory_space<vmem>>) semaphore(%arg20 : memref<!tpu.dma_semaphore, #tpu.memory_space<semaphore_mem>>) {add = true}
      %dma_wait3A_67 = arith.constant 0 : i32
      %dma_wait3A_68 = arith.constant 0 : i32
      %dma_wait3A_69 = tpu.memref_slice %arg16[%dma_wait3A_67, %dma_wait3A_68] : memref<10240x128xf32, #tpu.memory_space<vmem_shared>> -> memref<10240x128xf32, #tpu.memory_space<vmem_shared>>
      tpu.wait_indirect_dma semaphore(%arg19 : memref<!tpu.dma_semaphore, #tpu.memory_space<semaphore_mem>>) src(%arg13 : memref<128x128xf32, #tpu.memory_space<vmem>>) dst(%dma_wait3A_69 : memref<10240x128xf32, #tpu.memory_space<vmem_shared>>)
      %add3A_70 = arith.constant 256 : i32
      %add3A_71 = arith.addi %add3A_52, %add3A_70 : i32
      "tpu.region"() ({
        %run_scoped3A = tpu.sem_alloc : memref<!tpu.dma_semaphore, #tpu.memory_space<semaphore_mem>>
        %dma_start3A_83 = tpu.memref_slice %arg3[%add3A_71] : memref<320000xi32, #tpu.memory_space<hbm>> -> memref<128xi32, #tpu.memory_space<hbm>>
        %dma_start3A_84 = tpu.memref_slice %arg3[%add3A_71] : memref<320000xi32, #tpu.memory_space<hbm>> -> memref<128xi32, #tpu.memory_space<hbm>>
        tpu.enqueue_dma source(%dma_start3A_84 : memref<128xi32, #tpu.memory_space<hbm>>) target(%arg7 : memref<128xi32, #tpu.memory_space<vmem>>) target_semaphore(%run_scoped3A : memref<!tpu.dma_semaphore, #tpu.memory_space<semaphore_mem>>)
        %dma_wait3A_85 = tpu.memref_slice %arg3[%add3A_71] : memref<320000xi32, #tpu.memory_space<hbm>> -> memref<128xi32, #tpu.memory_space<hbm>>
        %dma_wait3A_86 = tpu.memref_slice %arg3[%add3A_71] : memref<320000xi32, #tpu.memory_space<hbm>> -> memref<128xi32, #tpu.memory_space<hbm>>
        tpu.wait_dma2 semaphore(%run_scoped3A : memref<!tpu.dma_semaphore, #tpu.memory_space<semaphore_mem>>) src(%dma_wait3A_86 : memref<128xi32, #tpu.memory_space<hbm>>) dst(%arg7 : memref<128xi32, #tpu.memory_space<vmem>>)
        tpu.yield
      }) : () -> ()
      %dma_start3A_72 = arith.constant 0 : i32
      %dma_start3A_73 = arith.constant 0 : i32
      %dma_start3A_74 = tpu.memref_slice %arg2[%dma_start3A_72, %dma_start3A_73] : memref<10000x128xf32, #tpu.memory_space<hbm>> -> memref<10000x128xf32, #tpu.memory_space<hbm>>
      tpu.enqueue_indirect_dma source(%dma_start3A_74 : memref<10000x128xf32, #tpu.memory_space<hbm>>) target(%arg13 : memref<128x128xf32, #tpu.memory_space<vmem>>) offsets(%arg7 : memref<128xi32, #tpu.memory_space<vmem>>) semaphore(%arg17 : memref<!tpu.dma_semaphore, #tpu.memory_space<semaphore_mem>>)
      %dma_wait3A_75 = arith.constant 0 : i32
      %dma_wait3A_76 = arith.constant 0 : i32
      %dma_wait3A_77 = tpu.memref_slice %arg16[%dma_wait3A_75, %dma_wait3A_76] : memref<10240x128xf32, #tpu.memory_space<vmem_shared>> -> memref<10240x128xf32, #tpu.memory_space<vmem_shared>>
      tpu.wait_indirect_dma semaphore(%arg20 : memref<!tpu.dma_semaphore, #tpu.memory_space<semaphore_mem>>) src(%arg14 : memref<128x128xf32, #tpu.memory_space<vmem>>) dst(%dma_wait3A_77 : memref<10240x128xf32, #tpu.memory_space<vmem_shared>>)
      %add3A_78 = arith.constant 384 : i32
      %add3A_79 = arith.addi %add3A_52, %add3A_78 : i32
      "tpu.region"() ({
        %run_scoped3A = tpu.sem_alloc : memref<!tpu.dma_semaphore, #tpu.memory_space<semaphore_mem>>
        %dma_start3A_83 = tpu.memref_slice %arg3[%add3A_79] : memref<320000xi32, #tpu.memory_space<hbm>> -> memref<128xi32, #tpu.memory_space<hbm>>
        %dma_start3A_84 = tpu.memref_slice %arg3[%add3A_79] : memref<320000xi32, #tpu.memory_space<hbm>> -> memref<128xi32, #tpu.memory_space<hbm>>
        tpu.enqueue_dma source(%dma_start3A_84 : memref<128xi32, #tpu.memory_space<hbm>>) target(%arg8 : memref<128xi32, #tpu.memory_space<vmem>>) target_semaphore(%run_scoped3A : memref<!tpu.dma_semaphore, #tpu.memory_space<semaphore_mem>>)
        %dma_wait3A_85 = tpu.memref_slice %arg3[%add3A_79] : memref<320000xi32, #tpu.memory_space<hbm>> -> memref<128xi32, #tpu.memory_space<hbm>>
        %dma_wait3A_86 = tpu.memref_slice %arg3[%add3A_79] : memref<320000xi32, #tpu.memory_space<hbm>> -> memref<128xi32, #tpu.memory_space<hbm>>
        tpu.wait_dma2 semaphore(%run_scoped3A : memref<!tpu.dma_semaphore, #tpu.memory_space<semaphore_mem>>) src(%dma_wait3A_86 : memref<128xi32, #tpu.memory_space<hbm>>) dst(%arg8 : memref<128xi32, #tpu.memory_space<vmem>>)
        tpu.yield
      }) : () -> ()
      %dma_start3A_80 = arith.constant 0 : i32
      %dma_start3A_81 = arith.constant 0 : i32
      %dma_start3A_82 = tpu.memref_slice %arg2[%dma_start3A_80, %dma_start3A_81] : memref<10000x128xf32, #tpu.memory_space<hbm>> -> memref<10000x128xf32, #tpu.memory_space<hbm>>
      tpu.enqueue_indirect_dma source(%dma_start3A_82 : memref<10000x128xf32, #tpu.memory_space<hbm>>) target(%arg14 : memref<128x128xf32, #tpu.memory_space<vmem>>) offsets(%arg8 : memref<128xi32, #tpu.memory_space<vmem>>) semaphore(%arg18 : memref<!tpu.dma_semaphore, #tpu.memory_space<semaphore_mem>>)
    }
    %scan3A_16 = arith.constant 38 : i32
    %add3A_17 = arith.constant 9728 : i32
    %add3A_18 = arith.addi %mul3A_4, %add3A_17 : i32
    %dma_wait3A = arith.constant 0 : i32
    %dma_wait3A_19 = arith.constant 0 : i32
    %dma_wait3A_20 = tpu.memref_slice %arg2[%dma_wait3A, %dma_wait3A_19] : memref<10000x128xf32, #tpu.memory_space<hbm>> -> memref<10000x128xf32, #tpu.memory_space<hbm>>
    tpu.wait_indirect_dma semaphore(%arg17 : memref<!tpu.dma_semaphore, #tpu.memory_space<semaphore_mem>>) src(%dma_wait3A_20 : memref<10000x128xf32, #tpu.memory_space<hbm>>) dst(%arg13 : memref<128x128xf32, #tpu.memory_space<vmem>>)
    "tpu.region"() ({
      %run_scoped3A = tpu.sem_alloc : memref<!tpu.dma_semaphore, #tpu.memory_space<semaphore_mem>>
      %dma_start3A_47 = tpu.memref_slice %arg4[%add3A_18] : memref<320000xi32, #tpu.memory_space<hbm>> -> memref<128xi32, #tpu.memory_space<hbm>>
      %dma_start3A_48 = tpu.memref_slice %arg4[%add3A_18] : memref<320000xi32, #tpu.memory_space<hbm>> -> memref<128xi32, #tpu.memory_space<hbm>>
      tpu.enqueue_dma source(%dma_start3A_48 : memref<128xi32, #tpu.memory_space<hbm>>) target(%arg9 : memref<128xi32, #tpu.memory_space<vmem>>) target_semaphore(%run_scoped3A : memref<!tpu.dma_semaphore, #tpu.memory_space<semaphore_mem>>)
      %dma_wait3A_49 = tpu.memref_slice %arg4[%add3A_18] : memref<320000xi32, #tpu.memory_space<hbm>> -> memref<128xi32, #tpu.memory_space<hbm>>
      %dma_wait3A_50 = tpu.memref_slice %arg4[%add3A_18] : memref<320000xi32, #tpu.memory_space<hbm>> -> memref<128xi32, #tpu.memory_space<hbm>>
      tpu.wait_dma2 semaphore(%run_scoped3A : memref<!tpu.dma_semaphore, #tpu.memory_space<semaphore_mem>>) src(%dma_wait3A_50 : memref<128xi32, #tpu.memory_space<hbm>>) dst(%arg9 : memref<128xi32, #tpu.memory_space<vmem>>)
      tpu.yield
    }) : () -> ()
    %dma_start3A_21 = arith.constant 0 : i32
    %dma_start3A_22 = arith.constant 0 : i32
    %dma_start3A_23 = tpu.memref_slice %arg16[%dma_start3A_21, %dma_start3A_22] : memref<10240x128xf32, #tpu.memory_space<vmem_shared>> -> memref<10240x128xf32, #tpu.memory_space<vmem_shared>>
    tpu.enqueue_indirect_dma source(%arg13 : memref<128x128xf32, #tpu.memory_space<vmem>>) target(%dma_start3A_23 : memref<10240x128xf32, #tpu.memory_space<vmem_shared>>) offsets(%arg9 : memref<128xi32, #tpu.memory_space<vmem>>) semaphore(%arg19 : memref<!tpu.dma_semaphore, #tpu.memory_space<semaphore_mem>>) {add = true}
    %add3A_24 = arith.constant 128 : i32
    %add3A_25 = arith.addi %add3A_18, %add3A_24 : i32
    %dma_wait3A_26 = arith.constant 0 : i32
    %dma_wait3A_27 = arith.constant 0 : i32
    %dma_wait3A_28 = tpu.memref_slice %arg2[%dma_wait3A_26, %dma_wait3A_27] : memref<10000x128xf32, #tpu.memory_space<hbm>> -> memref<10000x128xf32, #tpu.memory_space<hbm>>
    tpu.wait_indirect_dma semaphore(%arg18 : memref<!tpu.dma_semaphore, #tpu.memory_space<semaphore_mem>>) src(%dma_wait3A_28 : memref<10000x128xf32, #tpu.memory_space<hbm>>) dst(%arg14 : memref<128x128xf32, #tpu.memory_space<vmem>>)
    "tpu.region"() ({
      %run_scoped3A = tpu.sem_alloc : memref<!tpu.dma_semaphore, #tpu.memory_space<semaphore_mem>>
      %dma_start3A_47 = tpu.memref_slice %arg4[%add3A_25] : memref<320000xi32, #tpu.memory_space<hbm>> -> memref<128xi32, #tpu.memory_space<hbm>>
      %dma_start3A_48 = tpu.memref_slice %arg4[%add3A_25] : memref<320000xi32, #tpu.memory_space<hbm>> -> memref<128xi32, #tpu.memory_space<hbm>>
      tpu.enqueue_dma source(%dma_start3A_48 : memref<128xi32, #tpu.memory_space<hbm>>) target(%arg10 : memref<128xi32, #tpu.memory_space<vmem>>) target_semaphore(%run_scoped3A : memref<!tpu.dma_semaphore, #tpu.memory_space<semaphore_mem>>)
      %dma_wait3A_49 = tpu.memref_slice %arg4[%add3A_25] : memref<320000xi32, #tpu.memory_space<hbm>> -> memref<128xi32, #tpu.memory_space<hbm>>
      %dma_wait3A_50 = tpu.memref_slice %arg4[%add3A_25] : memref<320000xi32, #tpu.memory_space<hbm>> -> memref<128xi32, #tpu.memory_space<hbm>>
      tpu.wait_dma2 semaphore(%run_scoped3A : memref<!tpu.dma_semaphore, #tpu.memory_space<semaphore_mem>>) src(%dma_wait3A_50 : memref<128xi32, #tpu.memory_space<hbm>>) dst(%arg10 : memref<128xi32, #tpu.memory_space<vmem>>)
      tpu.yield
    }) : () -> ()
    %dma_start3A_29 = arith.constant 0 : i32
    %dma_start3A_30 = arith.constant 0 : i32
    %dma_start3A_31 = tpu.memref_slice %arg16[%dma_start3A_29, %dma_start3A_30] : memref<10240x128xf32, #tpu.memory_space<vmem_shared>> -> memref<10240x128xf32, #tpu.memory_space<vmem_shared>>
    tpu.enqueue_indirect_dma source(%arg14 : memref<128x128xf32, #tpu.memory_space<vmem>>) target(%dma_start3A_31 : memref<10240x128xf32, #tpu.memory_space<vmem_shared>>) offsets(%arg10 : memref<128xi32, #tpu.memory_space<vmem>>) semaphore(%arg20 : memref<!tpu.dma_semaphore, #tpu.memory_space<semaphore_mem>>) {add = true}
    %add3A_32 = arith.constant 9984 : i32
    %add3A_33 = arith.addi %mul3A_4, %add3A_32 : i32
    "tpu.region"() ({
      %run_scoped3A = tpu.sem_alloc : memref<!tpu.dma_semaphore, #tpu.memory_space<semaphore_mem>>
      %dma_start3A_47 = tpu.memref_slice %arg3[%add3A_33] : memref<320000xi32, #tpu.memory_space<hbm>> -> memref<16xi32, #tpu.memory_space<hbm>>
      %dma_start3A_48 = tpu.memref_slice %arg3[%add3A_33] : memref<320000xi32, #tpu.memory_space<hbm>> -> memref<16xi32, #tpu.memory_space<hbm>>
      tpu.enqueue_dma source(%dma_start3A_48 : memref<16xi32, #tpu.memory_space<hbm>>) target(%arg11 : memref<16xi32, #tpu.memory_space<vmem>>) target_semaphore(%run_scoped3A : memref<!tpu.dma_semaphore, #tpu.memory_space<semaphore_mem>>)
      %dma_wait3A_49 = tpu.memref_slice %arg3[%add3A_33] : memref<320000xi32, #tpu.memory_space<hbm>> -> memref<16xi32, #tpu.memory_space<hbm>>
      %dma_wait3A_50 = tpu.memref_slice %arg3[%add3A_33] : memref<320000xi32, #tpu.memory_space<hbm>> -> memref<16xi32, #tpu.memory_space<hbm>>
      tpu.wait_dma2 semaphore(%run_scoped3A : memref<!tpu.dma_semaphore, #tpu.memory_space<semaphore_mem>>) src(%dma_wait3A_50 : memref<16xi32, #tpu.memory_space<hbm>>) dst(%arg11 : memref<16xi32, #tpu.memory_space<vmem>>)
      tpu.yield
    }) : () -> ()
    %dma_start3A_34 = arith.constant 0 : i32
    %dma_start3A_35 = arith.constant 0 : i32
    %dma_start3A_36 = tpu.memref_slice %arg2[%dma_start3A_34, %dma_start3A_35] : memref<10000x128xf32, #tpu.memory_space<hbm>> -> memref<10000x128xf32, #tpu.memory_space<hbm>>
    tpu.enqueue_indirect_dma source(%dma_start3A_36 : memref<10000x128xf32, #tpu.memory_space<hbm>>) target(%arg15 : memref<16x128xf32, #tpu.memory_space<vmem>>) offsets(%arg11 : memref<16xi32, #tpu.memory_space<vmem>>) semaphore(%arg17 : memref<!tpu.dma_semaphore, #tpu.memory_space<semaphore_mem>>)
    %dma_wait3A_37 = arith.constant 0 : i32
    %dma_wait3A_38 = arith.constant 0 : i32
    %dma_wait3A_39 = tpu.memref_slice %arg16[%dma_wait3A_37, %dma_wait3A_38] : memref<10240x128xf32, #tpu.memory_space<vmem_shared>> -> memref<10240x128xf32, #tpu.memory_space<vmem_shared>>
    tpu.wait_indirect_dma semaphore(%arg19 : memref<!tpu.dma_semaphore, #tpu.memory_space<semaphore_mem>>) src(%arg13 : memref<128x128xf32, #tpu.memory_space<vmem>>) dst(%dma_wait3A_39 : memref<10240x128xf32, #tpu.memory_space<vmem_shared>>)
    %dma_wait3A_40 = arith.constant 0 : i32
    %dma_wait3A_41 = arith.constant 0 : i32
    %dma_wait3A_42 = tpu.memref_slice %arg16[%dma_wait3A_40, %dma_wait3A_41] : memref<10240x128xf32, #tpu.memory_space<vmem_shared>> -> memref<10240x128xf32, #tpu.memory_space<vmem_shared>>
    tpu.wait_indirect_dma semaphore(%arg20 : memref<!tpu.dma_semaphore, #tpu.memory_space<semaphore_mem>>) src(%arg14 : memref<128x128xf32, #tpu.memory_space<vmem>>) dst(%dma_wait3A_42 : memref<10240x128xf32, #tpu.memory_space<vmem_shared>>)
    %dma_wait3A_43 = arith.constant 0 : i32
    %dma_wait3A_44 = arith.constant 0 : i32
    %dma_wait3A_45 = tpu.memref_slice %arg2[%dma_wait3A_43, %dma_wait3A_44] : memref<10000x128xf32, #tpu.memory_space<hbm>> -> memref<10000x128xf32, #tpu.memory_space<hbm>>
    tpu.wait_indirect_dma semaphore(%arg17 : memref<!tpu.dma_semaphore, #tpu.memory_space<semaphore_mem>>) src(%dma_wait3A_45 : memref<10000x128xf32, #tpu.memory_space<hbm>>) dst(%arg15 : memref<16x128xf32, #tpu.memory_space<vmem>>)
    "tpu.region"() ({
      %run_scoped3A = tpu.sem_alloc : memref<!tpu.dma_semaphore, #tpu.memory_space<semaphore_mem>>
      %dma_start3A_47 = tpu.memref_slice %arg4[%add3A_33] : memref<320000xi32, #tpu.memory_space<hbm>> -> memref<16xi32, #tpu.memory_space<hbm>>
      %dma_start3A_48 = tpu.memref_slice %arg4[%add3A_33] : memref<320000xi32, #tpu.memory_space<hbm>> -> memref<16xi32, #tpu.memory_space<hbm>>
      tpu.enqueue_dma source(%dma_start3A_48 : memref<16xi32, #tpu.memory_space<hbm>>) target(%arg12 : memref<16xi32, #tpu.memory_space<vmem>>) target_semaphore(%run_scoped3A : memref<!tpu.dma_semaphore, #tpu.memory_space<semaphore_mem>>)
      %dma_wait3A_49 = tpu.memref_slice %arg4[%add3A_33] : memref<320000xi32, #tpu.memory_space<hbm>> -> memref<16xi32, #tpu.memory_space<hbm>>
      %dma_wait3A_50 = tpu.memref_slice %arg4[%add3A_33] : memref<320000xi32, #tpu.memory_space<hbm>> -> memref<16xi32, #tpu.memory_space<hbm>>
      tpu.wait_dma2 semaphore(%run_scoped3A : memref<!tpu.dma_semaphore, #tpu.memory_space<semaphore_mem>>) src(%dma_wait3A_50 : memref<16xi32, #tpu.memory_space<hbm>>) dst(%arg12 : memref<16xi32, #tpu.memory_space<vmem>>)
      tpu.yield
    }) : () -> ()
    "tpu.region"() ({
      %run_scoped3A = tpu.sem_alloc : memref<!tpu.dma_semaphore, #tpu.memory_space<semaphore_mem>>
      %dma_start3A_47 = arith.constant 0 : i32
      %dma_start3A_48 = arith.constant 0 : i32
      %dma_start3A_49 = tpu.memref_slice %arg16[%dma_start3A_47, %dma_start3A_48] : memref<10240x128xf32, #tpu.memory_space<vmem_shared>> -> memref<10240x128xf32, #tpu.memory_space<vmem_shared>>
      tpu.enqueue_indirect_dma source(%arg15 : memref<16x128xf32, #tpu.memory_space<vmem>>) target(%dma_start3A_49 : memref<10240x128xf32, #tpu.memory_space<vmem_shared>>) offsets(%arg12 : memref<16xi32, #tpu.memory_space<vmem>>) semaphore(%run_scoped3A : memref<!tpu.dma_semaphore, #tpu.memory_space<semaphore_mem>>) {add = true}
      %dma_wait3A_50 = arith.constant 0 : i32
      %dma_wait3A_51 = arith.constant 0 : i32
      %dma_wait3A_52 = tpu.memref_slice %arg16[%dma_wait3A_50, %dma_wait3A_51] : memref<10240x128xf32, #tpu.memory_space<vmem_shared>> -> memref<10240x128xf32, #tpu.memory_space<vmem_shared>>
      tpu.wait_indirect_dma semaphore(%run_scoped3A : memref<!tpu.dma_semaphore, #tpu.memory_space<semaphore_mem>>) src(%arg15 : memref<16x128xf32, #tpu.memory_space<vmem>>) dst(%dma_wait3A_52 : memref<10240x128xf32, #tpu.memory_space<vmem_shared>>)
      tpu.yield
    }) : () -> ()
    %barrier3A_46 = arith.constant 0 : index
    tpu.barrier barrier_id(%barrier3A_46)
    "tpu.region"() ({
      %run_scoped3A = tpu.sem_alloc : memref<!tpu.dma_semaphore, #tpu.memory_space<semaphore_mem>>
      %dma_start3A_47 = arith.constant 0 : i32
      %dma_start3A_48 = tpu.memref_slice %arg6[%arg0, %mul3A_2, %dma_start3A_47] : memref<2x10240x128xf32, #tpu.memory_space<hbm>> -> memref<1x640x128xf32, #tpu.memory_space<hbm>>
      %dma_start3A_49 = tpu.memref_squeeze %dma_start3A_48 : memref<1x640x128xf32, #tpu.memory_space<hbm>> -> memref<640x128xf32, #tpu.memory_space<hbm>>
      %dma_start3A_50 = arith.constant 0 : i32
      %dma_start3A_51 = tpu.memref_slice %arg16[%mul3A_2, %dma_start3A_50] : memref<10240x128xf32, #tpu.memory_space<vmem_shared>> -> memref<640x128xf32, #tpu.memory_space<vmem_shared>>
      tpu.enqueue_dma source(%dma_start3A_51 : memref<640x128xf32, #tpu.memory_space<vmem_shared>>) target(%dma_start3A_49 : memref<640x128xf32, #tpu.memory_space<hbm>>) target_semaphore(%run_scoped3A : memref<!tpu.dma_semaphore, #tpu.memory_space<semaphore_mem>>)
      %dma_wait3A_52 = arith.constant 0 : i32
      %dma_wait3A_53 = tpu.memref_slice %arg6[%arg0, %mul3A_2, %dma_wait3A_52] : memref<2x10240x128xf32, #tpu.memory_space<hbm>> -> memref<1x640x128xf32, #tpu.memory_space<hbm>>
      %dma_wait3A_54 = tpu.memref_squeeze %dma_wait3A_53 : memref<1x640x128xf32, #tpu.memory_space<hbm>> -> memref<640x128xf32, #tpu.memory_space<hbm>>
      %dma_wait3A_55 = arith.constant 0 : i32
      %dma_wait3A_56 = tpu.memref_slice %arg16[%mul3A_2, %dma_wait3A_55] : memref<10240x128xf32, #tpu.memory_space<vmem_shared>> -> memref<640x128xf32, #tpu.memory_space<vmem_shared>>
      tpu.wait_dma2 semaphore(%run_scoped3A : memref<!tpu.dma_semaphore, #tpu.memory_space<semaphore_mem>>) src(%dma_wait3A_56 : memref<640x128xf32, #tpu.memory_space<vmem_shared>>) dst(%dma_wait3A_54 : memref<640x128xf32, #tpu.memory_space<hbm>>)
      tpu.yield
    }) : () -> ()
    return
  }
}

module attributes {stable_mosaic.version = 14 : i64} {
  func.func @_proj_body(%arg0: i32, %arg1: memref<2000x128xf32, #tpu.memory_space<vmem>>, %arg2: memref<128x128xf32, #tpu.memory_space<vmem>>, %arg3: memref<1x128xf32, #tpu.memory_space<vmem>>, %arg4: memref<2000x128xf32, #tpu.memory_space<vmem>>, %arg5: memref<2000x128xf32, #tpu.memory_space<vmem>>, %arg6: memref<2000x128xf32, #tpu.memory_space<vmem>>) attributes {dimension_semantics = [#tpu.dimension_semantics<arbitrary>], iteration_bounds = array<i64: 5>, scalar_prefetch = 0 : i64, scratch_operands = 0 : i64, tpu.core_type = #tpu.core_type<tc>, window_params = [{transform_indices = @transform_0, window_bounds = array<i64: 2000, 128>}, {pipeline_mode = #tpu.pipeline_mode<synchronous>, transform_indices = @transform_1, window_bounds = array<i64: 128, 128>}, {pipeline_mode = #tpu.pipeline_mode<synchronous>, transform_indices = @transform_2, window_bounds = array<i64: 1, 128>}, {transform_indices = @transform_3, window_bounds = array<i64: 2000, 128>}, {transform_indices = @transform_4, window_bounds = array<i64: 2000, 128>}, {transform_indices = @transform_5, window_bounds = array<i64: 2000, 128>}]} {
    %get3A = arith.constant 0 : index
    %get3A_0 = arith.constant 0 : index
    %get3A_1 = vector.load %arg4[%get3A, %get3A_0] : memref<2000x128xf32, #tpu.memory_space<vmem>>, vector<2000x128xf32>
    %get3A_2 = arith.constant 0 : index
    %get3A_3 = arith.constant 0 : index
    %get3A_4 = vector.load %arg5[%get3A_2, %get3A_3] : memref<2000x128xf32, #tpu.memory_space<vmem>>, vector<2000x128xf32>
    %slice3A = vector.extract_strided_slice %get3A_1 {offsets = [0, 0], sizes = [2000, 1], strides = [1, 1]} : vector<2000x128xf32> to vector<2000x1xf32>
    %slice3A_5 = vector.extract_strided_slice %get3A_4 {offsets = [0, 0], sizes = [2000, 1], strides = [1, 1]} : vector<2000x128xf32> to vector<2000x1xf32>
    %add3A = arith.addf %slice3A, %slice3A_5 : vector<2000x1xf32>
    %max3A = arith.constant 1.000000e+00 : f32
    %max3A_6 = vector.broadcast %max3A : f32 to vector<2000x1xf32>
    %max3A_7 = arith.maximumf %add3A, %max3A_6 : vector<2000x1xf32>
    %rsqrt3A = math.rsqrt %max3A_7 : vector<2000x1xf32>
    %get3A_8 = arith.constant 0 : index
    %get3A_9 = arith.constant 0 : index
    %get3A_10 = vector.load %arg1[%get3A_8, %get3A_9] : memref<2000x128xf32, #tpu.memory_space<vmem>>, vector<2000x128xf32>
    %get3A_11 = arith.constant 0 : index
    %get3A_12 = arith.constant 0 : index
    %get3A_13 = vector.load %arg2[%get3A_11, %get3A_12] : memref<128x128xf32, #tpu.memory_space<vmem>>, vector<128x128xf32>
    %dot_general3A = arith.constant dense<0.000000e+00> : vector<2000x128xf32>
    %dot_general3A_14 = tpu.matmul %get3A_10, %get3A_13, %dot_general3A {dimension_numbers = #tpu.dot_dimension_numbers<[1], [0], [0], [1], [0, 0, 1, 1], [], []>, precision = #tpu.contract_precision<fp32>, transpose_lhs_hint = false} : vector<2000x128xf32>, vector<128x128xf32>, vector<2000x128xf32> -> vector<2000x128xf32>
    %get3A_15 = arith.constant 0 : index
    %get3A_16 = arith.constant 0 : index
    %get3A_17 = vector.load %arg3[%get3A_15, %get3A_16] : memref<1x128xf32, #tpu.memory_space<vmem>>, vector<1x128xf32>
    %add3A_18 = vector.broadcast %get3A_17 : vector<1x128xf32> to vector<2000x128xf32>
    %add3A_19 = arith.addf %dot_general3A_14, %add3A_18 : vector<2000x128xf32>
    %mul3A = vector.broadcast %rsqrt3A : vector<2000x1xf32> to vector<2000x128xf32>
    %mul3A_20 = arith.mulf %add3A_19, %mul3A : vector<2000x128xf32>
    %swap3A = arith.constant 0 : index
    %swap3A_21 = arith.constant 0 : index
    %swap3A_22 = vector.load %arg6[%swap3A, %swap3A_21] : memref<2000x128xf32, #tpu.memory_space<vmem>>, vector<2000x128xf32>
    tpu.vector_store %arg6[%swap3A, %swap3A_21], %mul3A_20 {strides = array<i32>} : memref<2000x128xf32, #tpu.memory_space<vmem>>, vector<2000x128xf32>,
    return
  }
  func.func @transform_0(%arg0: i32) -> (i32, i32) {
    %c0_i32 = arith.constant 0 : i32
    %c0_i32_0 = arith.constant 0 : i32
    return %arg0, %c0_i32 : i32, i32
  }
  func.func @transform_1(%arg0: i32) -> (i32, i32) {
    %c0_i32 = arith.constant 0 : i32
    %c0_i32_0 = arith.constant 0 : i32
    %c0_i32_1 = arith.constant 0 : i32
    return %c0_i32, %c0_i32_0 : i32, i32
  }
  func.func @transform_2(%arg0: i32) -> (i32, i32) {
    %c0_i32 = arith.constant 0 : i32
    %c0_i32_0 = arith.constant 0 : i32
    %c0_i32_1 = arith.constant 0 : i32
    return %c0_i32, %c0_i32_0 : i32, i32
  }
  func.func @transform_3(%arg0: i32) -> (i32, i32) {
    %c0_i32 = arith.constant 0 : i32
    %c0_i32_0 = arith.constant 0 : i32
    return %arg0, %c0_i32 : i32, i32
  }
  func.func @transform_4(%arg0: i32) -> (i32, i32) {
    %c0_i32 = arith.constant 0 : i32
    %c0_i32_0 = arith.constant 0 : i32
    return %arg0, %c0_i32 : i32, i32
  }
  func.func @transform_5(%arg0: i32) -> (i32, i32) {
    %c0_i32 = arith.constant 0 : i32
    %c0_i32_0 = arith.constant 0 : i32
    return %arg0, %c0_i32 : i32, i32
  }
}

module attributes {stable_mosaic.version = 14 : i64} {
  func.func @_conv_mid_body(%arg0: i32, %arg1: memref<2000x128xf32, #tpu.memory_space<vmem>>, %arg2: memref<2000x128xf32, #tpu.memory_space<vmem>>, %arg3: memref<2000x128xf32, #tpu.memory_space<vmem>>, %arg4: memref<2000x128xf32, #tpu.memory_space<vmem>>, %arg5: memref<128x128xf32, #tpu.memory_space<vmem>>, %arg6: memref<1x128xf32, #tpu.memory_space<vmem>>, %arg7: memref<2000x128xf32, #tpu.memory_space<vmem>>) attributes {dimension_semantics = [#tpu.dimension_semantics<arbitrary>], iteration_bounds = array<i64: 5>, scalar_prefetch = 0 : i64, scratch_operands = 0 : i64, tpu.core_type = #tpu.core_type<tc>, window_params = [{transform_indices = @transform_0, window_bounds = array<i64: 2000, 128>}, {transform_indices = @transform_1, window_bounds = array<i64: 2000, 128>}, {transform_indices = @transform_2, window_bounds = array<i64: 2000, 128>}, {transform_indices = @transform_3, window_bounds = array<i64: 2000, 128>}, {pipeline_mode = #tpu.pipeline_mode<synchronous>, transform_indices = @transform_4, window_bounds = array<i64: 128, 128>}, {pipeline_mode = #tpu.pipeline_mode<synchronous>, transform_indices = @transform_5, window_bounds = array<i64: 1, 128>}, {transform_indices = @transform_6, window_bounds = array<i64: 2000, 128>}]} {
    %get3A = arith.constant 0 : index
    %get3A_0 = arith.constant 0 : index
    %get3A_1 = vector.load %arg3[%get3A, %get3A_0] : memref<2000x128xf32, #tpu.memory_space<vmem>>, vector<2000x128xf32>
    %get3A_2 = arith.constant 0 : index
    %get3A_3 = arith.constant 0 : index
    %get3A_4 = vector.load %arg4[%get3A_2, %get3A_3] : memref<2000x128xf32, #tpu.memory_space<vmem>>, vector<2000x128xf32>
    %slice3A = vector.extract_strided_slice %get3A_1 {offsets = [0, 64], sizes = [2000, 1], strides = [1, 1]} : vector<2000x128xf32> to vector<2000x1xf32>
    %slice3A_5 = vector.extract_strided_slice %get3A_4 {offsets = [0, 64], sizes = [2000, 1], strides = [1, 1]} : vector<2000x128xf32> to vector<2000x1xf32>
    %add3A = arith.addf %slice3A, %slice3A_5 : vector<2000x1xf32>
    %max3A = arith.constant 1.000000e+00 : f32
    %max3A_6 = vector.broadcast %max3A : f32 to vector<2000x1xf32>
    %max3A_7 = arith.maximumf %add3A, %max3A_6 : vector<2000x1xf32>
    %rsqrt3A = math.rsqrt %max3A_7 : vector<2000x1xf32>
    %get3A_8 = arith.constant 0 : index
    %get3A_9 = arith.constant 0 : index
    %get3A_10 = vector.load %arg1[%get3A_8, %get3A_9] : memref<2000x128xf32, #tpu.memory_space<vmem>>, vector<2000x128xf32>
    %get3A_11 = arith.constant 0 : index
    %get3A_12 = arith.constant 0 : index
    %get3A_13 = vector.load %arg2[%get3A_11, %get3A_12] : memref<2000x128xf32, #tpu.memory_space<vmem>>, vector<2000x128xf32>
    %add3A_14 = arith.addf %get3A_10, %get3A_13 : vector<2000x128xf32>
    %mul3A = vector.broadcast %rsqrt3A : vector<2000x1xf32> to vector<2000x128xf32>
    %mul3A_15 = arith.mulf %add3A_14, %mul3A : vector<2000x128xf32>
    %get3A_16 = arith.constant 0 : index
    %get3A_17 = arith.constant 0 : index
    %get3A_18 = vector.load %arg5[%get3A_16, %get3A_17] : memref<128x128xf32, #tpu.memory_space<vmem>>, vector<128x128xf32>
    %dot_general3A = arith.constant dense<0.000000e+00> : vector<2000x128xf32>
    %dot_general3A_19 = tpu.matmul %mul3A_15, %get3A_18, %dot_general3A {dimension_numbers = #tpu.dot_dimension_numbers<[1], [0], [0], [1], [0, 0, 1, 1], [], []>, precision = #tpu.contract_precision<fp32>, transpose_lhs_hint = false} : vector<2000x128xf32>, vector<128x128xf32>, vector<2000x128xf32> -> vector<2000x128xf32>
    %get3A_20 = arith.constant 0 : index
    %get3A_21 = arith.constant 0 : index
    %get3A_22 = vector.load %arg6[%get3A_20, %get3A_21] : memref<1x128xf32, #tpu.memory_space<vmem>>, vector<1x128xf32>
    %add3A_23 = vector.broadcast %get3A_22 : vector<1x128xf32> to vector<2000x128xf32>
    %add3A_24 = arith.addf %dot_general3A_19, %add3A_23 : vector<2000x128xf32>
    %max3A_25 = arith.constant 0.000000e+00 : f32
    %max3A_26 = vector.broadcast %max3A_25 : f32 to vector<2000x128xf32>
    %max3A_27 = arith.maximumf %add3A_24, %max3A_26 : vector<2000x128xf32>
    %get3A_28 = arith.constant 0 : index
    %get3A_29 = arith.constant 0 : index
    %get3A_30 = vector.load %arg3[%get3A_28, %get3A_29] : memref<2000x128xf32, #tpu.memory_space<vmem>>, vector<2000x128xf32>
    %get3A_31 = arith.constant 0 : index
    %get3A_32 = arith.constant 0 : index
    %get3A_33 = vector.load %arg4[%get3A_31, %get3A_32] : memref<2000x128xf32, #tpu.memory_space<vmem>>, vector<2000x128xf32>
    %slice3A_34 = vector.extract_strided_slice %get3A_30 {offsets = [0, 0], sizes = [2000, 1], strides = [1, 1]} : vector<2000x128xf32> to vector<2000x1xf32>
    %slice3A_35 = vector.extract_strided_slice %get3A_33 {offsets = [0, 0], sizes = [2000, 1], strides = [1, 1]} : vector<2000x128xf32> to vector<2000x1xf32>
    %add3A_36 = arith.addf %slice3A_34, %slice3A_35 : vector<2000x1xf32>
    %max3A_37 = arith.constant 1.000000e+00 : f32
    %max3A_38 = vector.broadcast %max3A_37 : f32 to vector<2000x1xf32>
    %max3A_39 = arith.maximumf %add3A_36, %max3A_38 : vector<2000x1xf32>
    %rsqrt3A_40 = math.rsqrt %max3A_39 : vector<2000x1xf32>
    %mul3A_41 = vector.broadcast %rsqrt3A_40 : vector<2000x1xf32> to vector<2000x128xf32>
    %mul3A_42 = arith.mulf %max3A_27, %mul3A_41 : vector<2000x128xf32>
    %swap3A = arith.constant 0 : index
    %swap3A_43 = arith.constant 0 : index
    %swap3A_44 = vector.load %arg7[%swap3A, %swap3A_43] : memref<2000x128xf32, #tpu.memory_space<vmem>>, vector<2000x128xf32>
    tpu.vector_store %arg7[%swap3A, %swap3A_43], %mul3A_42 {strides = array<i32>} : memref<2000x128xf32, #tpu.memory_space<vmem>>, vector<2000x128xf32>,
    return
  }
  func.func @transform_0(%arg0: i32) -> (i32, i32) {
    %c0_i32 = arith.constant 0 : i32
    %c0_i32_0 = arith.constant 0 : i32
    return %arg0, %c0_i32 : i32, i32
  }
  func.func @transform_1(%arg0: i32) -> (i32, i32) {
    %c0_i32 = arith.constant 0 : i32
    %c0_i32_0 = arith.constant 0 : i32
    return %arg0, %c0_i32 : i32, i32
  }
  func.func @transform_2(%arg0: i32) -> (i32, i32) {
    %c0_i32 = arith.constant 0 : i32
    %c0_i32_0 = arith.constant 0 : i32
    return %arg0, %c0_i32 : i32, i32
  }
  func.func @transform_3(%arg0: i32) -> (i32, i32) {
    %c0_i32 = arith.constant 0 : i32
    %c0_i32_0 = arith.constant 0 : i32
    return %arg0, %c0_i32 : i32, i32
  }
  func.func @transform_4(%arg0: i32) -> (i32, i32) {
    %c0_i32 = arith.constant 0 : i32
    %c0_i32_0 = arith.constant 0 : i32
    %c0_i32_1 = arith.constant 0 : i32
    return %c0_i32, %c0_i32_0 : i32, i32
  }
  func.func @transform_5(%arg0: i32) -> (i32, i32) {
    %c0_i32 = arith.constant 0 : i32
    %c0_i32_0 = arith.constant 0 : i32
    %c0_i32_1 = arith.constant 0 : i32
    return %c0_i32, %c0_i32_0 : i32, i32
  }
  func.func @transform_6(%arg0: i32) -> (i32, i32) {
    %c0_i32 = arith.constant 0 : i32
    %c0_i32_0 = arith.constant 0 : i32
    return %arg0, %c0_i32 : i32, i32
  }
}

module attributes {stable_mosaic.version = 14 : i64} {
  func.func @_lstm_body(%arg0: i32, %arg1: memref<1000x128xf32, #tpu.memory_space<vmem>>, %arg2: memref<1000x128xf32, #tpu.memory_space<vmem>>, %arg3: memref<1000x128xf32, #tpu.memory_space<vmem>>, %arg4: memref<1000x128xf32, #tpu.memory_space<vmem>>, %arg5: memref<128x128xf32, #tpu.memory_space<vmem>>, %arg6: memref<1x128xf32, #tpu.memory_space<vmem>>, %arg7: memref<128x512xf32, #tpu.memory_space<vmem>>, %arg8: memref<1x512xf32, #tpu.memory_space<vmem>>, %arg9: memref<128x512xbf16, #tpu.memory_space<vmem>>, %arg10: memref<128x16xf32, #tpu.memory_space<vmem>>, %arg11: memref<1x16xf32, #tpu.memory_space<vmem>>, %arg12: memref<1000x16xf32, #tpu.memory_space<vmem>>, %arg13: memref<1x128xf32, #tpu.memory_space<vmem>>, %arg14: memref<1x128xf32, #tpu.memory_space<vmem>>, %arg15: memref<1000x512xf32, #tpu.memory_space<vmem>>, %arg16: memref<1000x128xf32, #tpu.memory_space<vmem>>) attributes {dimension_semantics = [#tpu.dimension_semantics<arbitrary>], iteration_bounds = array<i64: 10>, scalar_prefetch = 0 : i64, scratch_operands = 4 : i64, tpu.core_type = #tpu.core_type<tc>, window_params = [{transform_indices = @transform_0, window_bounds = array<i64: 1000, 128>}, {transform_indices = @transform_1, window_bounds = array<i64: 1000, 128>}, {transform_indices = @transform_2, window_bounds = array<i64: 1000, 128>}, {transform_indices = @transform_3, window_bounds = array<i64: 1000, 128>}, {pipeline_mode = #tpu.pipeline_mode<synchronous>, transform_indices = @transform_4, window_bounds = array<i64: 128, 128>}, {pipeline_mode = #tpu.pipeline_mode<synchronous>, transform_indices = @transform_5, window_bounds = array<i64: 1, 128>}, {pipeline_mode = #tpu.pipeline_mode<synchronous>, transform_indices = @transform_6, window_bounds = array<i64: 128, 512>}, {pipeline_mode = #tpu.pipeline_mode<synchronous>, transform_indices = @transform_7, window_bounds = array<i64: 1, 512>}, {pipeline_mode = #tpu.pipeline_mode<synchronous>, transform_indices = @transform_8, window_bounds = array<i64: 128, 512>}, {pipeline_mode = #tpu.pipeline_mode<synchronous>, transform_indices = @transform_9, window_bounds = array<i64: 128, 16>}, {pipeline_mode = #tpu.pipeline_mode<synchronous>, transform_indices = @transform_10, window_bounds = array<i64: 1, 16>}, {transform_indices = @transform_11, window_bounds = array<i64: 1000, 16>}]} {
    %eq3A = arith.constant 0 : i32
    %eq3A_0 = arith.cmpi eq, %arg0, %eq3A : i32
    %convert_element_type3A = arith.extui %eq3A_0 : i1 to i32
    %cond3A = arith.constant 0 : i32
    %cond3A_1 = arith.cmpi ne, %convert_element_type3A, %cond3A : i32
    scf.if %cond3A_1 {
      %broadcast_in_dim3A = arith.constant 0.000000e+00 : f32
      %broadcast_in_dim3A_78 = vector.broadcast %broadcast_in_dim3A : f32 to vector<1x128xf32>
      %swap3A_79 = arith.constant 0 : index
      %swap3A_80 = arith.constant 0 : index
      %swap3A_81 = vector.load %arg13[%swap3A_79, %swap3A_80] : memref<1x128xf32, #tpu.memory_space<vmem>>, vector<1x128xf32>
      tpu.vector_store %arg13[%swap3A_79, %swap3A_80], %broadcast_in_dim3A_78 {strides = array<i32>} : memref<1x128xf32, #tpu.memory_space<vmem>>, vector<1x128xf32>,
      %broadcast_in_dim3A_82 = arith.constant 0.000000e+00 : f32
      %broadcast_in_dim3A_83 = vector.broadcast %broadcast_in_dim3A_82 : f32 to vector<1x128xf32>
      %swap3A_84 = arith.constant 0 : index
      %swap3A_85 = arith.constant 0 : index
      %swap3A_86 = vector.load %arg14[%swap3A_84, %swap3A_85] : memref<1x128xf32, #tpu.memory_space<vmem>>, vector<1x128xf32>
      tpu.vector_store %arg14[%swap3A_84, %swap3A_85], %broadcast_in_dim3A_83 {strides = array<i32>} : memref<1x128xf32, #tpu.memory_space<vmem>>, vector<1x128xf32>,
    } else {
    }
    %get3A = arith.constant 0 : index
    %get3A_2 = arith.constant 0 : index
    %get3A_3 = vector.load %arg3[%get3A, %get3A_2] : memref<1000x128xf32, #tpu.memory_space<vmem>>, vector<1000x128xf32>
    %get3A_4 = arith.constant 0 : index
    %get3A_5 = arith.constant 0 : index
    %get3A_6 = vector.load %arg4[%get3A_4, %get3A_5] : memref<1000x128xf32, #tpu.memory_space<vmem>>, vector<1000x128xf32>
    %slice3A = vector.extract_strided_slice %get3A_3 {offsets = [0, 64], sizes = [1000, 1], strides = [1, 1]} : vector<1000x128xf32> to vector<1000x1xf32>
    %slice3A_7 = vector.extract_strided_slice %get3A_6 {offsets = [0, 64], sizes = [1000, 1], strides = [1, 1]} : vector<1000x128xf32> to vector<1000x1xf32>
    %add3A = arith.addf %slice3A, %slice3A_7 : vector<1000x1xf32>
    %max3A = arith.constant 1.000000e+00 : f32
    %max3A_8 = vector.broadcast %max3A : f32 to vector<1000x1xf32>
    %max3A_9 = arith.maximumf %add3A, %max3A_8 : vector<1000x1xf32>
    %rsqrt3A = math.rsqrt %max3A_9 : vector<1000x1xf32>
    %get3A_10 = arith.constant 0 : index
    %get3A_11 = arith.constant 0 : index
    %get3A_12 = vector.load %arg1[%get3A_10, %get3A_11] : memref<1000x128xf32, #tpu.memory_space<vmem>>, vector<1000x128xf32>
    %get3A_13 = arith.constant 0 : index
    %get3A_14 = arith.constant 0 : index
    %get3A_15 = vector.load %arg2[%get3A_13, %get3A_14] : memref<1000x128xf32, #tpu.memory_space<vmem>>, vector<1000x128xf32>
    %add3A_16 = arith.addf %get3A_12, %get3A_15 : vector<1000x128xf32>
    %mul3A = vector.broadcast %rsqrt3A : vector<1000x1xf32> to vector<1000x128xf32>
    %mul3A_17 = arith.mulf %add3A_16, %mul3A : vector<1000x128xf32>
    %get3A_18 = arith.constant 0 : index
    %get3A_19 = arith.constant 0 : index
    %get3A_20 = vector.load %arg5[%get3A_18, %get3A_19] : memref<128x128xf32, #tpu.memory_space<vmem>>, vector<128x128xf32>
    %dot_general3A = arith.constant dense<0.000000e+00> : vector<1000x128xf32>
    %dot_general3A_21 = tpu.matmul %mul3A_17, %get3A_20, %dot_general3A {dimension_numbers = #tpu.dot_dimension_numbers<[1], [0], [0], [1], [0, 0, 1, 1], [], []>, precision = #tpu.contract_precision<fp32>, transpose_lhs_hint = false} : vector<1000x128xf32>, vector<128x128xf32>, vector<1000x128xf32> -> vector<1000x128xf32>
    %get3A_22 = arith.constant 0 : index
    %get3A_23 = arith.constant 0 : index
    %get3A_24 = vector.load %arg6[%get3A_22, %get3A_23] : memref<1x128xf32, #tpu.memory_space<vmem>>, vector<1x128xf32>
    %add3A_25 = vector.broadcast %get3A_24 : vector<1x128xf32> to vector<1000x128xf32>
    %add3A_26 = arith.addf %dot_general3A_21, %add3A_25 : vector<1000x128xf32>
    %max3A_27 = arith.constant 0.000000e+00 : f32
    %max3A_28 = vector.broadcast %max3A_27 : f32 to vector<1000x128xf32>
    %max3A_29 = arith.maximumf %add3A_26, %max3A_28 : vector<1000x128xf32>
    %get3A_30 = arith.constant 0 : index
    %get3A_31 = arith.constant 0 : index
    %get3A_32 = vector.load %arg7[%get3A_30, %get3A_31] : memref<128x512xf32, #tpu.memory_space<vmem>>, vector<128x512xf32>
    %dot_general3A_33 = arith.constant dense<0.000000e+00> : vector<1000x512xf32>
    %dot_general3A_34 = tpu.matmul %max3A_29, %get3A_32, %dot_general3A_33 {dimension_numbers = #tpu.dot_dimension_numbers<[1], [0], [0], [1], [0, 0, 1, 1], [], []>, precision = #tpu.contract_precision<fp32>, transpose_lhs_hint = false} : vector<1000x128xf32>, vector<128x512xf32>, vector<1000x512xf32> -> vector<1000x512xf32>
    %get3A_35 = arith.constant 0 : index
    %get3A_36 = arith.constant 0 : index
    %get3A_37 = vector.load %arg8[%get3A_35, %get3A_36] : memref<1x512xf32, #tpu.memory_space<vmem>>, vector<1x512xf32>
    %add3A_38 = vector.broadcast %get3A_37 : vector<1x512xf32> to vector<1000x512xf32>
    %add3A_39 = arith.addf %dot_general3A_34, %add3A_38 : vector<1000x512xf32>
    %swap3A = arith.constant 0 : index
    %swap3A_40 = arith.constant 0 : index
    %swap3A_41 = vector.load %arg15[%swap3A, %swap3A_40] : memref<1000x512xf32, #tpu.memory_space<vmem>>, vector<1000x512xf32>
    tpu.vector_store %arg15[%swap3A, %swap3A_40], %add3A_39 {strides = array<i32>} : memref<1000x512xf32, #tpu.memory_space<vmem>>, vector<1000x512xf32>,
    %get3A_42 = arith.constant 0 : index
    %get3A_43 = arith.constant 0 : index
    %get3A_44 = vector.load %arg9[%get3A_42, %get3A_43] : memref<128x512xbf16, #tpu.memory_space<vmem>>, vector<128x512xbf16>
    %get3A_45 = arith.constant 0 : index
    %get3A_46 = arith.constant 0 : index
    %get3A_47 = vector.load %arg13[%get3A_45, %get3A_46] : memref<1x128xf32, #tpu.memory_space<vmem>>, vector<1x128xf32>
    %get3A_48 = arith.constant 0 : index
    %get3A_49 = arith.constant 0 : index
    %get3A_50 = vector.load %arg14[%get3A_48, %get3A_49] : memref<1x128xf32, #tpu.memory_space<vmem>>, vector<1x128xf32>
    %scan3A = arith.constant 0 : i32
    %scan3A_51 = arith.constant 1000 : i32
    %scan3A_52 = arith.addi %scan3A, %scan3A_51 : i32
    %scan3A_53 = arith.constant 2 : i32
    %scan3A_54:2 = scf.for %scan3A_78 = %scan3A to %scan3A_52 step %scan3A_53 iter_args(%scan3A_79 = %get3A_47, %scan3A_80 = %get3A_50) -> (vector<1x128xf32>, vector<1x128xf32>)  : i32 {
      %get3A_81 = arith.index_cast %scan3A_78 : i32 to index
      %get3A_82 = arith.constant 0 : index
      %get3A_83 = vector.load %arg15[%get3A_81, %get3A_82] : memref<1000x512xf32, #tpu.memory_space<vmem>>, vector<1x512xf32>
      %convert_element_type3A_84 = arith.truncf %scan3A_79 : vector<1x128xf32> to vector<1x128xbf16>
      %dot_general3A_85 = arith.constant dense<0.000000e+00> : vector<1x512xf32>
      %dot_general3A_86 = tpu.matmul %convert_element_type3A_84, %get3A_44, %dot_general3A_85 {dimension_numbers = #tpu.dot_dimension_numbers<[1], [0], [0], [1], [0, 0, 1, 1], [], []>, transpose_lhs_hint = false} : vector<1x128xbf16>, vector<128x512xbf16>, vector<1x512xf32> -> vector<1x512xf32>
      %add3A_87 = arith.addf %get3A_83, %dot_general3A_86 : vector<1x512xf32>
      %slice3A_88 = vector.extract_strided_slice %add3A_87 {offsets = [0, 0], sizes = [1, 128], strides = [1, 1]} : vector<1x512xf32> to vector<1x128xf32>
      %mul3A_89 = arith.constant 5.000000e-01 : f32
      %mul3A_90 = vector.broadcast %mul3A_89 : f32 to vector<1x128xf32>
      %mul3A_91 = arith.mulf %mul3A_90, %slice3A_88 : vector<1x128xf32>
      %tanh3A = math.tanh %mul3A_91 : vector<1x128xf32>
      %mul3A_92 = arith.constant 5.000000e-01 : f32
      %mul3A_93 = vector.broadcast %mul3A_92 : f32 to vector<1x128xf32>
      %mul3A_94 = arith.mulf %mul3A_93, %tanh3A : vector<1x128xf32>
      %add3A_95 = arith.constant 5.000000e-01 : f32
      %add3A_96 = vector.broadcast %add3A_95 : f32 to vector<1x128xf32>
      %add3A_97 = arith.addf %mul3A_94, %add3A_96 : vector<1x128xf32>
      %slice3A_98 = vector.extract_strided_slice %add3A_87 {offsets = [0, 128], sizes = [1, 128], strides = [1, 1]} : vector<1x512xf32> to vector<1x128xf32>
      %mul3A_99 = arith.constant 5.000000e-01 : f32
      %mul3A_100 = vector.broadcast %mul3A_99 : f32 to vector<1x128xf32>
      %mul3A_101 = arith.mulf %mul3A_100, %slice3A_98 : vector<1x128xf32>
      %tanh3A_102 = math.tanh %mul3A_101 : vector<1x128xf32>
      %mul3A_103 = arith.constant 5.000000e-01 : f32
      %mul3A_104 = vector.broadcast %mul3A_103 : f32 to vector<1x128xf32>
      %mul3A_105 = arith.mulf %mul3A_104, %tanh3A_102 : vector<1x128xf32>
      %add3A_106 = arith.constant 5.000000e-01 : f32
      %add3A_107 = vector.broadcast %add3A_106 : f32 to vector<1x128xf32>
      %add3A_108 = arith.addf %mul3A_105, %add3A_107 : vector<1x128xf32>
      %slice3A_109 = vector.extract_strided_slice %add3A_87 {offsets = [0, 256], sizes = [1, 128], strides = [1, 1]} : vector<1x512xf32> to vector<1x128xf32>
      %tanh3A_110 = math.tanh %slice3A_109 : vector<1x128xf32>
      %slice3A_111 = vector.extract_strided_slice %add3A_87 {offsets = [0, 384], sizes = [1, 128], strides = [1, 1]} : vector<1x512xf32> to vector<1x128xf32>
      %mul3A_112 = arith.constant 5.000000e-01 : f32
      %mul3A_113 = vector.broadcast %mul3A_112 : f32 to vector<1x128xf32>
      %mul3A_114 = arith.mulf %mul3A_113, %slice3A_111 : vector<1x128xf32>
      %tanh3A_115 = math.tanh %mul3A_114 : vector<1x128xf32>
      %mul3A_116 = arith.constant 5.000000e-01 : f32
      %mul3A_117 = vector.broadcast %mul3A_116 : f32 to vector<1x128xf32>
      %mul3A_118 = arith.mulf %mul3A_117, %tanh3A_115 : vector<1x128xf32>
      %add3A_119 = arith.constant 5.000000e-01 : f32
      %add3A_120 = vector.broadcast %add3A_119 : f32 to vector<1x128xf32>
      %add3A_121 = arith.addf %mul3A_118, %add3A_120 : vector<1x128xf32>
      %mul3A_122 = arith.mulf %add3A_108, %scan3A_80 : vector<1x128xf32>
      %mul3A_123 = arith.mulf %add3A_97, %tanh3A_110 : vector<1x128xf32>
      %add3A_124 = arith.addf %mul3A_122, %mul3A_123 : vector<1x128xf32>
      %tanh3A_125 = math.tanh %add3A_124 : vector<1x128xf32>
      %mul3A_126 = arith.mulf %add3A_121, %tanh3A_125 : vector<1x128xf32>
      %swap3A_127 = arith.index_cast %scan3A_78 : i32 to index
      %swap3A_128 = arith.constant 0 : index
      %swap3A_129 = vector.load %arg16[%swap3A_127, %swap3A_128] : memref<1000x128xf32, #tpu.memory_space<vmem>>, vector<1x128xf32>
      tpu.vector_store %arg16[%swap3A_127, %swap3A_128], %mul3A_126 {strides = array<i32>} : memref<1000x128xf32, #tpu.memory_space<vmem>>, vector<1x128xf32>,
      %scan3A_130 = arith.constant 1 : i32
      %scan3A_131 = arith.addi %scan3A_78, %scan3A_130 : i32
      %get3A_132 = arith.index_cast %scan3A_131 : i32 to index
      %get3A_133 = arith.constant 0 : index
      %get3A_134 = vector.load %arg15[%get3A_132, %get3A_133] : memref<1000x512xf32, #tpu.memory_space<vmem>>, vector<1x512xf32>
      %convert_element_type3A_135 = arith.truncf %mul3A_126 : vector<1x128xf32> to vector<1x128xbf16>
      %dot_general3A_136 = arith.constant dense<0.000000e+00> : vector<1x512xf32>
      %dot_general3A_137 = tpu.matmul %convert_element_type3A_135, %get3A_44, %dot_general3A_136 {dimension_numbers = #tpu.dot_dimension_numbers<[1], [0], [0], [1], [0, 0, 1, 1], [], []>, transpose_lhs_hint = false} : vector<1x128xbf16>, vector<128x512xbf16>, vector<1x512xf32> -> vector<1x512xf32>
      %add3A_138 = arith.addf %get3A_134, %dot_general3A_137 : vector<1x512xf32>
      %slice3A_139 = vector.extract_strided_slice %add3A_138 {offsets = [0, 0], sizes = [1, 128], strides = [1, 1]} : vector<1x512xf32> to vector<1x128xf32>
      %mul3A_140 = arith.constant 5.000000e-01 : f32
      %mul3A_141 = vector.broadcast %mul3A_140 : f32 to vector<1x128xf32>
      %mul3A_142 = arith.mulf %mul3A_141, %slice3A_139 : vector<1x128xf32>
      %tanh3A_143 = math.tanh %mul3A_142 : vector<1x128xf32>
      %mul3A_144 = arith.constant 5.000000e-01 : f32
      %mul3A_145 = vector.broadcast %mul3A_144 : f32 to vector<1x128xf32>
      %mul3A_146 = arith.mulf %mul3A_145, %tanh3A_143 : vector<1x128xf32>
      %add3A_147 = arith.constant 5.000000e-01 : f32
      %add3A_148 = vector.broadcast %add3A_147 : f32 to vector<1x128xf32>
      %add3A_149 = arith.addf %mul3A_146, %add3A_148 : vector<1x128xf32>
      %slice3A_150 = vector.extract_strided_slice %add3A_138 {offsets = [0, 128], sizes = [1, 128], strides = [1, 1]} : vector<1x512xf32> to vector<1x128xf32>
      %mul3A_151 = arith.constant 5.000000e-01 : f32
      %mul3A_152 = vector.broadcast %mul3A_151 : f32 to vector<1x128xf32>
      %mul3A_153 = arith.mulf %mul3A_152, %slice3A_150 : vector<1x128xf32>
      %tanh3A_154 = math.tanh %mul3A_153 : vector<1x128xf32>
      %mul3A_155 = arith.constant 5.000000e-01 : f32
      %mul3A_156 = vector.broadcast %mul3A_155 : f32 to vector<1x128xf32>
      %mul3A_157 = arith.mulf %mul3A_156, %tanh3A_154 : vector<1x128xf32>
      %add3A_158 = arith.constant 5.000000e-01 : f32
      %add3A_159 = vector.broadcast %add3A_158 : f32 to vector<1x128xf32>
      %add3A_160 = arith.addf %mul3A_157, %add3A_159 : vector<1x128xf32>
      %slice3A_161 = vector.extract_strided_slice %add3A_138 {offsets = [0, 256], sizes = [1, 128], strides = [1, 1]} : vector<1x512xf32> to vector<1x128xf32>
      %tanh3A_162 = math.tanh %slice3A_161 : vector<1x128xf32>
      %slice3A_163 = vector.extract_strided_slice %add3A_138 {offsets = [0, 384], sizes = [1, 128], strides = [1, 1]} : vector<1x512xf32> to vector<1x128xf32>
      %mul3A_164 = arith.constant 5.000000e-01 : f32
      %mul3A_165 = vector.broadcast %mul3A_164 : f32 to vector<1x128xf32>
      %mul3A_166 = arith.mulf %mul3A_165, %slice3A_163 : vector<1x128xf32>
      %tanh3A_167 = math.tanh %mul3A_166 : vector<1x128xf32>
      %mul3A_168 = arith.constant 5.000000e-01 : f32
      %mul3A_169 = vector.broadcast %mul3A_168 : f32 to vector<1x128xf32>
      %mul3A_170 = arith.mulf %mul3A_169, %tanh3A_167 : vector<1x128xf32>
      %add3A_171 = arith.constant 5.000000e-01 : f32
      %add3A_172 = vector.broadcast %add3A_171 : f32 to vector<1x128xf32>
      %add3A_173 = arith.addf %mul3A_170, %add3A_172 : vector<1x128xf32>
      %mul3A_174 = arith.mulf %add3A_160, %add3A_124 : vector<1x128xf32>
      %mul3A_175 = arith.mulf %add3A_149, %tanh3A_162 : vector<1x128xf32>
      %add3A_176 = arith.addf %mul3A_174, %mul3A_175 : vector<1x128xf32>
      %tanh3A_177 = math.tanh %add3A_176 : vector<1x128xf32>
      %mul3A_178 = arith.mulf %add3A_173, %tanh3A_177 : vector<1x128xf32>
      %swap3A_179 = arith.index_cast %scan3A_131 : i32 to index
      %swap3A_180 = arith.constant 0 : index
      %swap3A_181 = vector.load %arg16[%swap3A_179, %swap3A_180] : memref<1000x128xf32, #tpu.memory_space<vmem>>, vector<1x128xf32>
      tpu.vector_store %arg16[%swap3A_179, %swap3A_180], %mul3A_178 {strides = array<i32>} : memref<1000x128xf32, #tpu.memory_space<vmem>>, vector<1x128xf32>,
      scf.yield %mul3A_178, %add3A_176 : vector<1x128xf32>, vector<1x128xf32>
    }
    %scan3A_55 = arith.constant 1000 : i32
    %swap3A_56 = arith.constant 0 : index
    %swap3A_57 = arith.constant 0 : index
    %swap3A_58 = vector.load %arg13[%swap3A_56, %swap3A_57] : memref<1x128xf32, #tpu.memory_space<vmem>>, vector<1x128xf32>
    tpu.vector_store %arg13[%swap3A_56, %swap3A_57], %scan3A_54#0 {strides = array<i32>} : memref<1x128xf32, #tpu.memory_space<vmem>>, vector<1x128xf32>,
    %swap3A_59 = arith.constant 0 : index
    %swap3A_60 = arith.constant 0 : index
    %swap3A_61 = vector.load %arg14[%swap3A_59, %swap3A_60] : memref<1x128xf32, #tpu.memory_space<vmem>>, vector<1x128xf32>
    tpu.vector_store %arg14[%swap3A_59, %swap3A_60], %scan3A_54#1 {strides = array<i32>} : memref<1x128xf32, #tpu.memory_space<vmem>>, vector<1x128xf32>,
    %get3A_62 = arith.constant 0 : index
    %get3A_63 = arith.constant 0 : index
    %get3A_64 = vector.load %arg16[%get3A_62, %get3A_63] : memref<1000x128xf32, #tpu.memory_space<vmem>>, vector<1000x128xf32>
    %get3A_65 = arith.constant 0 : index
    %get3A_66 = arith.constant 0 : index
    %get3A_67 = vector.load %arg10[%get3A_65, %get3A_66] : memref<128x16xf32, #tpu.memory_space<vmem>>, vector<128x16xf32>
    %dot_general3A_68 = arith.constant dense<0.000000e+00> : vector<1000x16xf32>
    %dot_general3A_69 = tpu.matmul %get3A_64, %get3A_67, %dot_general3A_68 {dimension_numbers = #tpu.dot_dimension_numbers<[1], [0], [0], [1], [0, 0, 1, 1], [], []>, precision = #tpu.contract_precision<fp32>, transpose_lhs_hint = false} : vector<1000x128xf32>, vector<128x16xf32>, vector<1000x16xf32> -> vector<1000x16xf32>
    %get3A_70 = arith.constant 0 : index
    %get3A_71 = arith.constant 0 : index
    %get3A_72 = vector.load %arg11[%get3A_70, %get3A_71] : memref<1x16xf32, #tpu.memory_space<vmem>>, vector<1x16xf32>
    %add3A_73 = vector.broadcast %get3A_72 : vector<1x16xf32> to vector<1000x16xf32>
    %add3A_74 = arith.addf %dot_general3A_69, %add3A_73 : vector<1000x16xf32>
    %swap3A_75 = arith.constant 0 : index
    %swap3A_76 = arith.constant 0 : index
    %swap3A_77 = vector.load %arg12[%swap3A_75, %swap3A_76] : memref<1000x16xf32, #tpu.memory_space<vmem>>, vector<1000x16xf32>
    tpu.vector_store %arg12[%swap3A_75, %swap3A_76], %add3A_74 {strides = array<i32>} : memref<1000x16xf32, #tpu.memory_space<vmem>>, vector<1000x16xf32>,
    return
  }
  func.func @transform_0(%arg0: i32) -> (i32, i32) {
    %c0_i32 = arith.constant 0 : i32
    %c0_i32_0 = arith.constant 0 : i32
    return %arg0, %c0_i32 : i32, i32
  }
  func.func @transform_1(%arg0: i32) -> (i32, i32) {
    %c0_i32 = arith.constant 0 : i32
    %c0_i32_0 = arith.constant 0 : i32
    return %arg0, %c0_i32 : i32, i32
  }
  func.func @transform_2(%arg0: i32) -> (i32, i32) {
    %c0_i32 = arith.constant 0 : i32
    %c0_i32_0 = arith.constant 0 : i32
    return %arg0, %c0_i32 : i32, i32
  }
  func.func @transform_3(%arg0: i32) -> (i32, i32) {
    %c0_i32 = arith.constant 0 : i32
    %c0_i32_0 = arith.constant 0 : i32
    return %arg0, %c0_i32 : i32, i32
  }
  func.func @transform_4(%arg0: i32) -> (i32, i32) {
    %c0_i32 = arith.constant 0 : i32
    %c0_i32_0 = arith.constant 0 : i32
    %c0_i32_1 = arith.constant 0 : i32
    return %c0_i32, %c0_i32_0 : i32, i32
  }
  func.func @transform_5(%arg0: i32) -> (i32, i32) {
    %c0_i32 = arith.constant 0 : i32
    %c0_i32_0 = arith.constant 0 : i32
    %c0_i32_1 = arith.constant 0 : i32
    return %c0_i32, %c0_i32_0 : i32, i32
  }
  func.func @transform_6(%arg0: i32) -> (i32, i32) {
    %c0_i32 = arith.constant 0 : i32
    %c0_i32_0 = arith.constant 0 : i32
    %c0_i32_1 = arith.constant 0 : i32
    return %c0_i32, %c0_i32_0 : i32, i32
  }
  func.func @transform_7(%arg0: i32) -> (i32, i32) {
    %c0_i32 = arith.constant 0 : i32
    %c0_i32_0 = arith.constant 0 : i32
    %c0_i32_1 = arith.constant 0 : i32
    return %c0_i32, %c0_i32_0 : i32, i32
  }
  func.func @transform_8(%arg0: i32) -> (i32, i32) {
    %c0_i32 = arith.constant 0 : i32
    %c0_i32_0 = arith.constant 0 : i32
    %c0_i32_1 = arith.constant 0 : i32
    return %c0_i32, %c0_i32_0 : i32, i32
  }
  func.func @transform_9(%arg0: i32) -> (i32, i32) {
    %c0_i32 = arith.constant 0 : i32
    %c0_i32_0 = arith.constant 0 : i32
    %c0_i32_1 = arith.constant 0 : i32
    return %c0_i32, %c0_i32_0 : i32, i32
  }
  func.func @transform_10(%arg0: i32) -> (i32, i32) {
    %c0_i32 = arith.constant 0 : i32
    %c0_i32_0 = arith.constant 0 : i32
    %c0_i32_1 = arith.constant 0 : i32
    return %c0_i32, %c0_i32_0 : i32, i32
  }
  func.func @transform_11(%arg0: i32) -> (i32, i32) {
    %c0_i32 = arith.constant 0 : i32
    %c0_i32_0 = arith.constant 0 : i32
    return %arg0, %c0_i32 : i32, i32
  }
}

</mosaic_0001>

<sc_bundles>
// kernel: kernel.11.cloned.1.call-start
scs
__scs_entry_jumppad:
0x0: {  	(pc) =	sbr.rel $0x88, $3  }
0x1: {  	(tag) =	ssettag $0x0;
	lr =	simm.s32 $0x1  }
0x2: {  	[smem:$0x3F93] =	sst lr;
	_ =	strace $0xD0000000  }
0x3: {  	_ = 	snop  }
0x4: {  	_ = 	snop  }
0x5: {  	_ = 	snop  }
0x6: {  	_ = 	snop  }
0x7: {  	_ = 	snop  }
__scs_overlays_trampoline_lowered:
0x8: {  	[smem:$0x3FA2] =	sst s0  }
0x9: {  	[smem:$0x3FA3] =	sst s1  }
0xa: {  	[smem:$0x3FA4] =	sst s2  }
0xb: {  	[smem:$0x3FA5] =	sst s3  }
0xc: {  	[smem:$0x3FA6] =	sst s4  }
0xd: {  	[smem:$0x3FA7] =	sst s5  }
0xe: {  	[smem:$0x3FA8] =	sst s6  }
0xf: {  	[smem:$0x3FA9] =	sst s7  }
0x10: {  	[smem:$0x3FAA] =	sst s8  }
0x11: {  	[smem:$0x3FAB] =	sst s9;
	s0 =	simm.s32 @!p0 $0x0  }
0x12: {  	s1 =	sld [smem:$0x3F91];
	s0 =	simm.s32 @p0 $0x1  }
0x13: {  	[smem:$0x3FAC] =	sst s0;
	s0 =	simm.s32 @!p1 $0x0  }
0x14: {  	s2 =	sld [smem:$0x3F90];
	s0 =	simm.s32 @p1 $0x1  }
0x15: {  	[smem:$0x3FAD] =	sst s0;
	s0 =	simm.s32 @!p2 $0x0  }
0x16: {  	s3 =	sld [smem:$0x3FDB];
	s0 =	simm.s32 @p2 $0x1  }
0x17: {  	s4 =	simm.s32 $0x1BF5;
	[smem:$0x3FAF] =	sst s0  }
0x18: {  	s0 =	sld [smem:$0x3F92];
	_ =	swait.ge [sflag:s4], $0x0  }
0x19: {  	s7 =	sld [smem:$0x3F93]  }
0x1a: {  	s8 =	sadd.s32 $0xFFFFE003, lr  }
0x1b: {  	s9 =	sadd.s32 $0xFFFFFEF7, lr;
	s5 =	simm.s32 $0xFFFFFFFF;
	p2 =	slt.u32 s8, $0xFFFFF086  }
0x1c: {  	p1 =	slt.u32 s9, $0xF7A;
	s5 =	simm.s32 @!p2 $0x0  }
0x1d: {  	s5 =	simm.s32 @p1 $0x1;
	p0 =	seq.s32 s7, s2  }
0x1e: {  	s7 =	smul.u32 @!p0 $0xF7A, s2;
	p2 =	seq.s32 @!p0 s5, $0x0  }
0x1f: {  	s9 =	smul.u32 $0xF7A, s1;
	s8 =	simm.s32 @!p0 $0x1BF5;
	p2 =	por !p2, p0  }
0x20: {  	[sflag:s8] =	ssyncset.s32 @!p0 $0xFFFFF086;
	s6 =	sadd.s32 @!p0 s3, s7;
	s7 =	simm.s32 @!p0 $0x108  }
0x21: {  	s3 =	sadd.s32 s3, s9;
	s6 =	sadd.s32 @!p0 $0x88, s6;
	s7 =	simm.s32 @p2 $0x1082  }
0x22: {  	[simem:s7], [sflag:s8] =	dma.local @!p0 [hbm:s6], $0xF7A  }
0x23: {  	s9 =	sor.u32 $0xD0000000, s2;
	s6 =	simm.s32 $0x108;
	_ =	swait.ge @!p0 [sflag:s8], $0x0  }
0x24: {  	s3 =	sadd.s32 $0x88, s3;
	s6 =	simm.s32 @!p1 $0x1082;
	[sflag:s4] =	ssyncset.s32 $0xFFFFF086  }
0x25: {  	[simem:s6], [sflag:s4] =	dma.local [hbm:s3], $0xF7A  }
0x26: {  	[smem:$0x3F93] =	sst s1;
	(tag) =	ssettag s2;
	_ =	strace s9  }
0x27: {  	s1 =	sld [smem:$0x3FA3]  }
0x28: {  	s2 =	sld [smem:$0x3FA4]  }
0x29: {  	s4 =	sld [smem:$0x3FA6]  }
0x2a: {  	p0 =	seq.s32 s5, $0x0;
	s5 =	sld [smem:$0x3FA7]  }
0x2b: {  	s6 =	sld [smem:$0x3FA8]  }
0x2c: {  	s7 =	sld [smem:$0x3FA9]  }
0x2d: {  	s3 =	simm.s32 $0x108;
	s8 =	sld [smem:$0x3FAA]  }
0x2e: {  	s3 =	simm.s32 @!p0 $0x1082;
	s9 =	sld [smem:$0x3FAB]  }
0x2f: {  	lr =	sadd.s32 s0, s3;
	s0 =	sld [smem:$0x3FA2]  }
0x30: {  	s3 =	sld [smem:$0x3FA5]  }
0x31: {  	[smem:$0x3FAE] =	sst s10  }
0x32: {  	s10 =	sld [smem:$0x3FAC];
	_ =	sdelay $0x3  }
0x33: {  	p0 =	seq.s32 s10, $0x1;
	s10 =	sld [smem:$0x3FAE];
	_ =	sdelay $0x3  }
0x34: {  	[smem:$0x3FAE] =	sst s10  }
0x35: {  	s10 =	sld [smem:$0x3FAD];
	_ =	sdelay $0x3  }
0x36: {  	p1 =	seq.s32 s10, $0x1;
	s10 =	sld [smem:$0x3FAE];
	_ =	sdelay $0x3  }
0x37: {  	[smem:$0x3FAE] =	sst s10  }
0x38: {  	s10 =	sld [smem:$0x3FAF]  }
0x39: {  	_ = 	snop;
	(pc) =	sbr.ind lr, $3  }
0x3a: {  	_ = 	snop  }
0x3b: {  	_ = 	snop  }
0x3c: {  	p2 =	seq.s32 s10, $0x1;
	s10 =	sld [smem:$0x3FAE]  }
0x3d: {  	_ =	shalt  }
0x3e: {  	_ =	shalt  }
0x3f: {  	_ =	shalt  }
0x40: {  	_ =	shalt  }
0x41: {  	_ =	shalt  }
0x42: {  	_ =	shalt  }
0x43: {  	_ =	shalt  }
0x44: {  	_ =	shalt  }
0x45: {  	_ =	shalt  }
0x46: {  	_ =	shalt  }
0x47: {  	_ =	shalt  }
0x48: {  	_ =	shalt  }
0x49: {  	_ =	shalt  }
0x4a: {  	_ =	shalt  }
0x4b: {  	_ =	shalt  }
0x4c: {  	_ =	shalt  }
0x4d: {  	_ =	shalt  }
0x4e: {  	_ =	shalt  }
0x4f: {  	_ =	shalt  }
0x50: {  	_ =	shalt  }
0x51: {  	_ =	shalt  }
0x52: {  	_ =	shalt  }
0x53: {  	_ =	shalt  }
0x54: {  	_ =	shalt  }
0x55: {  	_ =	shalt  }
0x56: {  	_ =	shalt  }
0x57: {  	_ =	shalt  }
0x58: {  	_ =	shalt  }
0x59: {  	_ =	shalt  }
0x5a: {  	_ =	shalt  }
0x5b: {  	_ =	shalt  }
0x5c: {  	_ =	shalt  }
0x5d: {  	_ =	shalt  }
0x5e: {  	_ =	shalt  }
0x5f: {  	_ =	shalt  }
0x60: {  	_ =	shalt  }
0x61: {  	_ =	shalt  }
0x62: {  	_ =	shalt  }
0x63: {  	_ =	shalt  }
0x64: {  	_ =	shalt  }
0x65: {  	_ =	shalt  }
0x66: {  	_ =	shalt  }
0x67: {  	_ =	shalt  }
0x68: {  	_ =	shalt  }
0x69: {  	_ =	shalt  }
0x6a: {  	_ =	shalt  }
0x6b: {  	_ =	shalt  }
0x6c: {  	_ =	shalt  }
0x6d: {  	_ =	shalt  }
0x6e: {  	_ =	shalt  }
0x6f: {  	_ =	shalt  }
0x70: {  	_ =	shalt  }
0x71: {  	_ =	shalt  }
0x72: {  	_ =	shalt  }
0x73: {  	_ =	shalt  }
0x74: {  	_ =	shalt  }
0x75: {  	_ =	shalt  }
0x76: {  	_ =	shalt  }
0x77: {  	_ =	shalt  }
0x78: {  	_ =	shalt  }
0x79: {  	_ =	shalt  }
0x7a: {  	_ =	shalt  }
0x7b: {  	_ =	shalt  }
0x7c: {  	_ =	shalt  }
0x7d: {  	_ =	shalt  }
0x7e: {  	_ =	shalt  }
0x7f: {  	_ =	shalt  }
0x80: {  	_ =	shalt  }
0x81: {  	_ =	shalt  }
0x82: {  	_ =	shalt  }
0x83: {  	_ =	shalt  }
0x84: {  	_ =	shalt  }
0x85: {  	_ =	shalt  }
0x86: {  	_ =	shalt  }
0x87: {  	_ =	shalt  }
.Lfunc_end0:
.L_simem_size_0:
called_computation.1_lowered:
.L_overlay_start_0:
0x88: {  	s2 =	sld [smem:$0x3FD9]  }
0x89: {  	s3 =	sld [smem:$0x3FFE];
	_ =	sdelay $0x1  }
0x8a: {  	s1 =	srdreg.scid  }
0x8b: {  	s0 =	sand.u32 $0x1, s1  }
0x8c: {  	s16 =	sshll.u32 s0, $0xA;
	s2 =	sadd.s32 s3, s2  }
0x8d: {  	s2 =	sadd.s32 s2, s16  }
0x8e: {  	[smem:$0x3FBA] =	sst s2  }
0x8f: {  	_ = 	snop  }
0x90: {  	(tm) =	ssettm $0x1  }
0x91: {  	s17 =	sld [smem:$0x3FFB];
	_ =	sdelay $0x3  }
0x92: {  	_ =	strace s17  }
0x93: {  	s2 =	sld [smem:$0x3FFC];
	_ =	sdelay $0x3  }
0x94: {  	_ =	strace s2  }
0x95: {  	s2 =	sld [smem:$0x3FFD];
	_ =	sdelay $0x3  }
0x96: {  	_ =	strace s2  }
0x97: {  	_ =	strace $0x8FFFFFFF  }
0x98: {  	s18 =	sld [smem:$0x3FDB];
	_ =	sdelay $0x1  }
0x99: {  	s19 =	simm.s32 $_scs_section_size  }
0x9a: {  	s4 =	simm.s32 $_size__tile_overlayer_lowered;
	s5 =	simm.s32 $_tile_overlayer_lowered  }
0x9b: {  	s22 =	simm.s32 $0x1BFF;
	s21 =	sshll.u32 s5, $0x1;
	s2 =	sadd.s32 s19, s18  }
0x9c: {  	s6 =	simm.s32 $0x0;
	s20 =	sshll.u32 s4, $0x1;
	s4 =	sadd.s32 s21, s2  }
0x9d: {  	[timem:s6], [sflag:s22] =	dma.local [hbm:s4], s20  }
0x9e: {  	_ =	swait.ge [sflag:s22], s20  }
0x9f: {  	s3 =	ssub.s32 $0x0, s20;
	[sflag:s22] =	ssyncset.done $0x0  }
0xa0: {  	[sflag:s22] =	ssyncadd.s32 s3;
	_ =	sdelay $0x1  }
0xa1: {  	s23 =	simm.s32 $0x1B8B  }
0xa2: {  	_ =	swait.ge [sflag:s23], $0x1  }
0xa3: {  	[sflag:s23] =	ssyncset.done $0x0  }
0xa4: {  	s25 =	simm.s32 $0x1B8E;
	s24 =	sld [smem:$0x3FFE];
	[sflag:s23] =	ssyncadd.s32 $0xFFFFFFFF  }
0xa5: {  	s26 =	simm.s32 $execute0_lowered;
	[smem:$0x3FD2] =	sst s25  }
0xa6: {  	s4 =	sshll.u32 s26, $0x1;
	_ =	strace $0x80000049;
	[dreg:$0x1] =	wrdreg $0xFFFFFFFF  }
0xa7: {  	s28 =	simm.s32 $_size_execute0_lowered;
	s2 =	sadd.s32 s2, s4;
	[dreg:$0x0] =	wrdreg $0x0  }
0xa8: {  	s4 =	sshll.u32 s28, $0x1;
	[dreg:$0x2] =	wrdreg s2  }
0xa9: {  	[dreg:$0x3] =	wrdreg s4  }
0xaa: {  	[dreg:$0x4] =	wrdreg $0xC0  }
0xab: {  	_ =	task [dreg:s6], $0x5FFFF  }
0xac: {  	[dreg:$0x1] =	wrdreg $0xFFFFFFFF  }
0xad: {  	[dreg:$0x0] =	wrdreg $0x60  }
0xae: {  	[dreg:$0x2] =	wrdreg s24  }
0xaf: {  	[dreg:$0x3] =	wrdreg $0x8B000  }
0xb0: {  	[dreg:$0x4] =	wrdreg $0x9  }
0xb1: {  	_ =	task.clear_ibuf [dreg:s6], $0x5FFFF;
	_ =	strace $0x90000049  }
0xb2: {  	s29 =	simm.s32 $0x9;
	_ =	strace $0x8000004B  }
0xb3: {  	_ =	swait.ge [sflag:s29], $0x1  }
0xb4: {  	[sflag:s29] =	ssyncadd.s32 $0xFFFFFFFF  }
0xb5: {  	_ =	strace $0x9000004B  }
0xb6: {  	_ =	sfence  }
0xb7: {  	s30 =	sld [smem:$0x0];
	_ =	sdelay $0x2  }
0xb8: {  	s31 =	sshll.u32 s1, $0xD;
	s1 =	sshrl.u32 s1, $0x2  }
0xb9: {  	s3 =	sand.u32 $0x4000, s31;
	s1 =	sadd.s32 s1, s30  }
0xba: {  	s0 =	sor.u32 s3, s0;
	s1 =	sshll.u32 s1, $0x11  }
0xbb: {  	s0 =	sor.u32 s1, s0  }
0xbc: {  	s0 =	sadd.s32 $0x8F2B, s0  }
0xbd: {  	[sflag:s0] =	ssyncadd.remote.s32 $0x1  }
0xbe: {  	_ =	sfence.sel $0xFFFF  }
0xbf: {  	[dreg:$0x0] =	wrdreg $0xFFFFFFFF;
	(pc) =	sbr.abs _section_cstart, $3  }
0xc0: {  	[dreg:$0x1] =	wrdreg $0xFFFFFFFF  }
0xc1: {  	_ =	task.clear_ibuf [dreg:s6], $0x2FFFF;
	_ =	strace $0x9FFFFFFF  }
0xc2: {  	(tm) =	ssettm $0x7FFFFFFF  }
0xc3: {  	_ =	shalt  }
tec
execute0_lowered:
.L_overlay_start_1:
0x0: {  	(tag) =	ssettag $0x1  }
0x1: {  	s0 =	rddreg [dreg:$0x0]  }
0x2: {  	s2 =	rddreg [dreg:$0x1];
	s3 =	simm.s32 $0x0;
	s13 =	stileid.u32  }
0x3: {  	s4 =	srdreg.scid;
	s28 =	simm.s32 $0x2;
	s29 =	simm.s32 $0x180  }
0x4: {  	s30 =	simm.s32 $0x3;
	s31 =	simm.s32 $0x4;
	[smem:$0x7FF] =	sst s3  }
0x5: {  	s1 =	smul.u32 $0x14000, s13;
	s6 =	sand.u32 $0x1, s4;
	s4 =	sadd.s32 $0x67400, s0  }
0x6: {  	s5 =	sadd.s32 $0xCE00, s0;
	s9 =	sadd.s32 $0x3000, s0;
	s15 =	smul.u32 $0x50000, s13  }
0x7: {  	s10 =	sshll.u32 s13, $0x1;
	s17 =	sshll.u32 s13, $0x6;
	s19 =	smul.u32 $0x4E20, s13  }
0x8: {  	_ =	strace $0x8000004A;
	s8 =	smul.u32 $0x140000, s6;
	s11 =	ssub.s32 $0x2, s6  }
0x9: {  	s10 =	sor.u32 s6, s10;
	s6 =	smul.u32 $0x2710, s6;
	s7 =	sshrl.u32 s1, $0x3  }
0xa: {  	s12 =	sshrl.u32 s11, $0x1;
	s10 =	smul.u32 $0x2710, s10;
	s7 =	sadd.s32 s7, s0  }
0xb: {  	s1 =	sadd.s32 s1, s8;
	s8 =	sshrl.u32 s15, $0x2;
	s16 =	ssub.s32 s11, s12  }
0xc: {  	s6 =	sadd.s32 s6, s19;
	s1 =	sshrl.u32 s1, $0x3;
	s8 =	sadd.s32 s8, s2  }
0xd: {  	s7 =	sadd.s32 $0x17400, s7;
	s10 =	sshrl.u32 s10, $0x3;
	s15 =	smax.u32 s16, $0x1  }
0xe: {  	s23 =	sadd.s32 $0x180, s6;
	s24 =	sshrl.u32 s6, $0x3;
	s25 =	sadd.s32 $0x80, s6  }
0xf: {  	s0 =	sadd.s32 s1, s0;
	[dreg:$0x3] =	wrdreg s7;
	s7 =	sor.u32 $0x1C05, s17  }
0x10: {  	s18 =	sadd.s32 s5, s10;
	s20 =	sadd.s32 s9, s10;
	s10 =	sadd.s32 $0x4E0, s10  }
0x11: {  	s16 =	sadd.s32 s24, s9;
	s26 =	sshrl.u32 s25, $0x3;
	s24 =	simm.s32 $0x4300  }
0x12: {  	s25 =	simm.s32 $0x1;
	s1 =	simm.s32 $0x10;
	[dreg:$0x4] =	wrdreg s18  }
0x13: {  	s12 =	sadd.s32 $0x10, s18;
	s21 =	sadd.s32 $0x4C0, s20;
	s22 =	sadd.s32 s5, s10  }
0x14: {  	s10 =	sadd.s32 s9, s10;
	s14 =	sadd.s32 $0x8E600, s0;
	s0 =	sshrl.u32 s23, $0x3  }
0x15: {  	s18 =	sadd.s32 $0x100, s6;
	s19 =	sadd.s32 s26, s9;
	[dreg:$0x5] =	wrdreg s12  }
0x16: {  	s23 =	simm.s32 $0x300;
	s26 =	simm.s32 $0x100;
	[dreg:$0x6] =	wrdreg s21  }
0x17: {  	s6 =	simm.s32 $0x8300;
	s9 =	simm.s32 $0x280;
	[dreg:$0x8] =	wrdreg s22  }
0x18: {  	s12 =	sadd.s32 $0x4D0, s20;
	[dreg:$0x9] =	wrdreg s10;
	s17 =	sadd.s32 s0, s5  }
0x19: {  	s20 =	sshrl.u32 s8, $0x3;
	s21 =	simm.s32 $0x5;
	s22 =	simm.s32 $0x80  }
0x1a: {  	s0 =	simm.s32 $0x200;
	s10 =	simm.s32 $0x0;
	[dreg:$0x7] =	wrdreg s12  }
.LBB2_1:
0x1b: {  	s8 =	rddreg [dreg:$0x3]  }
0x1c: {  	[spmem:s20], [sflag:s7] =	dma.local [hbm:s8], $0x2800  }
0x1d: {  	_ =	swait.ge [sflag:s21], $0x2800  }
0x1e: {  	[sflag:s21] =	ssyncset.done $0x0  }
0x1f: {  	[sflag:s21] =	ssyncadd.s32 $0xFFFFD800  }
0x20: {  	[bflag:$0x0] =	sbarrier.arrive $0xFFFF  }
0x21: {  	s11 =	rddreg [dreg:$0x4]  }
0x22: {  	[tilespmem:s3], [sflag:$0x5] =	stream.linear.gather [hbm4b:s11+s3], $0x80, $0x38;
	[tilespmem:$0x1CB00] =	vst v63  }
0x23: {  	_ =	swait.ge [sflag:s21], $0x80  }
0x24: {  	[sflag:s21] =	ssyncset.done $0x0  }
0x25: {  	[sflag:s21] =	ssyncadd.s32 $0xFFFFFF80  }
0x26: {  	[tilespmem:s23], [sflag:$0x1] =	stream.indirect.gather [hbm4b:s4+s22], $0x80, s3, s22, $0xb8;
	[tilespmem:$0x1CB00] =	vst v63  }
0x27: {  	s12 =	rddreg [dreg:$0x5]  }
0x28: {  	[tilespmem:s22], [sflag:$0x5] =	stream.linear.gather [hbm4b:s12+s3], $0x80, $0x38;
	[tilespmem:$0x1CB00] =	vst v63  }
0x29: {  	_ =	swait.ge [sflag:s21], $0x80  }
0x2a: {  	[sflag:s21] =	ssyncset.done $0x0  }
0x2b: {  	[sflag:s21] =	ssyncadd.s32 $0xFFFFFF80  }
0x2c: {  	[tilespmem:s24], [sflag:$0x2] =	stream.indirect.gather [hbm4b:s4+s22], $0x80, s22, s22, $0xb8;
	[tilespmem:$0x1CB00] =	vst v63  }
0x2d: {  	_ =	swait.ge [sflag:s25], $0x4000  }
0x2e: {  	[sflag:s25] =	ssyncset.done $0x0  }
0x2f: {  	s13 =	sadd.s32 $0x0, s16;
	[sflag:s25] =	ssyncadd.s32 $0xFFFFC000  }
0x30: {  	[tilespmem:s26], [sflag:$0x5] =	stream.linear.gather [hbm4b:s13+s3], $0x80, $0x38;
	[tilespmem:$0x1CB00] =	vst v63  }
0x31: {  	_ =	swait.ge [sflag:s21], $0x80  }
0x32: {  	[sflag:s21] =	ssyncset.done $0x0  }
0x33: {  	[sflag:s21] =	ssyncadd.s32 $0xFFFFFF80  }
0x34: {  	[spmem:s2] =	stream.indirect.scatter.add.f32 [tilespmem:s23], [sflag:$0x3], $0x80, s26, s22, $0xb8;
	[tilespmem:$0x1CB00] =	vst v63  }
0x35: {  	_ =	swait.ge [sflag:s28], $0x4000  }
0x36: {  	[sflag:s28] =	ssyncset.done $0x0  }
0x37: {  	s11 =	sadd.s32 $0x0, s19;
	[sflag:s28] =	ssyncadd.s32 $0xFFFFC000  }
0x38: {  	[tilespmem:s29], [sflag:$0x5] =	stream.linear.gather [hbm4b:s11+s3], $0x80, $0x38;
	[tilespmem:$0x1CB00] =	vst v63  }
0x39: {  	_ =	swait.ge [sflag:s21], $0x80  }
0x3a: {  	[sflag:s21] =	ssyncset.done $0x0  }
0x3b: {  	[sflag:s21] =	ssyncadd.s32 $0xFFFFFF80  }
0x3c: {  	[spmem:s2] =	stream.indirect.scatter.add.f32 [tilespmem:s24], [sflag:$0x4], $0x80, s29, s22, $0xb8;
	[tilespmem:$0x1CB00] =	vst v63  }
0x3d: {  	_ =	swait.ge [sflag:s30], $0x4000  }
0x3e: {  	s12 =	sshrl.u32 s18, $0x3;
	[sflag:s30] =	ssyncset.done $0x0  }
0x3f: {  	s8 =	sadd.s32 s5, s12;
	[sflag:s30] =	ssyncadd.s32 $0xFFFFC000  }
0x40: {  	[tilespmem:s3], [sflag:$0x5] =	stream.linear.gather [hbm4b:s8+s3], $0x80, $0x38;
	[tilespmem:$0x1CB00] =	vst v63  }
0x41: {  	_ =	swait.ge [sflag:s21], $0x80  }
0x42: {  	[sflag:s21] =	ssyncset.done $0x0  }
0x43: {  	[sflag:s21] =	ssyncadd.s32 $0xFFFFFF80  }
0x44: {  	[tilespmem:s23], [sflag:$0x1] =	stream.indirect.gather [hbm4b:s4+s22], $0x80, s3, s22, $0xb8;
	[tilespmem:$0x1CB00] =	vst v63  }
0x45: {  	_ =	swait.ge [sflag:s31], $0x4000  }
0x46: {  	[sflag:s31] =	ssyncset.done $0x0  }
0x47: {  	s13 =	sadd.s32 $0x0, s17;
	[sflag:s31] =	ssyncadd.s32 $0xFFFFC000  }
0x48: {  	[tilespmem:s22], [sflag:$0x5] =	stream.linear.gather [hbm4b:s13+s3], $0x80, $0x38;
	[tilespmem:$0x1CB00] =	vst v63  }
0x49: {  	_ =	swait.ge [sflag:s21], $0x80  }
0x4a: {  	[sflag:s21] =	ssyncset.done $0x0  }
0x4b: {  	s11 =	simm.s32 $0x20;
	s8 =	sadd.s32 $0x100, s18;
	[sflag:s21] =	ssyncadd.s32 $0xFFFFFF80  }
.LBB2_2:
0x4c: {  	[tilespmem:s24], [sflag:$0x2] =	stream.indirect.gather [hbm4b:s4+s22], $0x80, s22, s22, $0xb8;
	[tilespmem:$0x1CB00] =	vst v63  }
0x4d: {  	s12 =	smov.u32 s11  }
0x4e: {  	p0 =	sne.s32 s11, $0x4A0;
	s11 =	sadd.s32 $0x20, s11;
	_ =	swait.ge [sflag:s25], $0x4000  }
0x4f: {  	[sflag:s25] =	ssyncset.done $0x0  }
0x50: {  	s13 =	sadd.s32 s12, s16;
	[sflag:s25] =	ssyncadd.s32 $0xFFFFC000  }
0x51: {  	[tilespmem:s26], [sflag:$0x5] =	stream.linear.gather [hbm4b:s13+s3], $0x80, $0x38;
	[tilespmem:$0x1CB00] =	vst v63  }
0x52: {  	_ =	swait.ge [sflag:s21], $0x80  }
0x53: {  	[sflag:s21] =	ssyncset.done $0x0  }
0x54: {  	[sflag:s21] =	ssyncadd.s32 $0xFFFFFF80  }
0x55: {  	[spmem:s2] =	stream.indirect.scatter.add.f32 [tilespmem:s23], [sflag:$0x3], $0x80, s26, s22, $0xb8;
	[tilespmem:$0x1CB00] =	vst v63  }
0x56: {  	_ =	swait.ge [sflag:s28], $0x4000  }
0x57: {  	[sflag:s28] =	ssyncset.done $0x0  }
0x58: {  	s13 =	sadd.s32 s12, s19;
	[sflag:s28] =	ssyncadd.s32 $0xFFFFC000  }
0x59: {  	[tilespmem:s29], [sflag:$0x5] =	stream.linear.gather [hbm4b:s13+s3], $0x80, $0x38;
	[tilespmem:$0x1CB00] =	vst v63  }
0x5a: {  	_ =	swait.ge [sflag:s21], $0x80  }
0x5b: {  	[sflag:s21] =	ssyncset.done $0x0  }
0x5c: {  	[sflag:s21] =	ssyncadd.s32 $0xFFFFFF80  }
0x5d: {  	[spmem:s2] =	stream.indirect.scatter.add.f32 [tilespmem:s24], [sflag:$0x4], $0x80, s29, s22, $0xb8;
	[tilespmem:$0x1CB00] =	vst v63  }
0x5e: {  	_ =	swait.ge [sflag:s30], $0x4000  }
0x5f: {  	s13 =	sshrl.u32 s8, $0x3;
	[sflag:s30] =	ssyncset.done $0x0  }
0x60: {  	s13 =	sadd.s32 s5, s13;
	[sflag:s30] =	ssyncadd.s32 $0xFFFFC000  }
0x61: {  	[tilespmem:s3], [sflag:$0x5] =	stream.linear.gather [hbm4b:s13+s3], $0x80, $0x38;
	[tilespmem:$0x1CB00] =	vst v63  }
0x62: {  	_ =	swait.ge [sflag:s21], $0x80  }
0x63: {  	[sflag:s21] =	ssyncset.done $0x0  }
0x64: {  	[sflag:s21] =	ssyncadd.s32 $0xFFFFFF80  }
0x65: {  	[tilespmem:s23], [sflag:$0x1] =	stream.indirect.gather [hbm4b:s4+s22], $0x80, s3, s22, $0xb8;
	[tilespmem:$0x1CB00] =	vst v63  }
0x66: {  	_ =	swait.ge [sflag:s31], $0x4000  }
0x67: {  	[sflag:s31] =	ssyncset.done $0x0  }
.Ltmp0:
0x68: {  	s12 =	sadd.s32 s12, s17;
	[sflag:s31] =	ssyncadd.s32 $0xFFFFC000;
	(pc) =	sbr.rel @p0 .LBB2_2-.Ltmp0, $4  }
0x69: {  	[tilespmem:s22], [sflag:$0x5] =	stream.linear.gather [hbm4b:s12+s3], $0x80, $0x38;
	[tilespmem:$0x1CB00] =	vst v63  }
0x6a: {  	_ =	swait.ge [sflag:s21], $0x80  }
0x6b: {  	[sflag:s21] =	ssyncset.done $0x0  }
0x6c: {  	s8 =	sadd.s32 $0x100, s8;
	[sflag:s21] =	ssyncadd.s32 $0xFFFFFF80  }
0x6d: {  	[tilespmem:s24], [sflag:$0x2] =	stream.indirect.gather [hbm4b:s4+s22], $0x80, s22, s22, $0xb8;
	[tilespmem:$0x1CB00] =	vst v63  }
0x6e: {  	_ =	swait.ge [sflag:s25], $0x4000  }
0x6f: {  	[sflag:s25] =	ssyncset.done $0x0  }
0x70: {  	s8 =	rddreg [dreg:$0x6];
	[sflag:s25] =	ssyncadd.s32 $0xFFFFC000  }
0x71: {  	[tilespmem:s26], [sflag:$0x5] =	stream.linear.gather [hbm4b:s8+s3], $0x80, $0x38;
	[tilespmem:$0x1CB00] =	vst v63  }
0x72: {  	_ =	swait.ge [sflag:s21], $0x80  }
0x73: {  	[sflag:s21] =	ssyncset.done $0x0  }
0x74: {  	[sflag:s21] =	ssyncadd.s32 $0xFFFFFF80  }
0x75: {  	[spmem:s2] =	stream.indirect.scatter.add.f32 [tilespmem:s23], [sflag:$0x3], $0x80, s26, s22, $0xb8;
	[tilespmem:$0x1CB00] =	vst v63  }
0x76: {  	_ =	swait.ge [sflag:s28], $0x4000  }
0x77: {  	[sflag:s28] =	ssyncset.done $0x0  }
0x78: {  	s11 =	rddreg [dreg:$0x7];
	[sflag:s28] =	ssyncadd.s32 $0xFFFFC000  }
0x79: {  	[tilespmem:s29], [sflag:$0x5] =	stream.linear.gather [hbm4b:s11+s3], $0x80, $0x38;
	[tilespmem:$0x1CB00] =	vst v63  }
0x7a: {  	_ =	swait.ge [sflag:s21], $0x80  }
0x7b: {  	[sflag:s21] =	ssyncset.done $0x0  }
0x7c: {  	[sflag:s21] =	ssyncadd.s32 $0xFFFFFF80  }
0x7d: {  	[spmem:s2] =	stream.indirect.scatter.add.f32 [tilespmem:s24], [sflag:$0x4], $0x80, s29, s22, $0xb8;
	[tilespmem:$0x1CB00] =	vst v63  }
0x7e: {  	s12 =	rddreg [dreg:$0x8]  }
0x7f: {  	[tilespmem:s0], [sflag:$0x5] =	stream.linear.gather [hbm4b:s12+s3], $0x10, $0x38;
	[tilespmem:$0x1CB00] =	vst v63  }
0x80: {  	_ =	swait.ge [sflag:s21], $0x10  }
0x81: {  	[sflag:s21] =	ssyncset.done $0x0  }
0x82: {  	[sflag:s21] =	ssyncadd.s32 $0xFFFFFFF0  }
0x83: {  	[tilespmem:s6], [sflag:$0x1] =	stream.indirect.gather [hbm4b:s4+s1], $0x80, s0, s1, $0xb8;
	[tilespmem:$0x1CB00] =	vst v63  }
0x84: {  	_ =	swait.ge [sflag:s30], $0x4000  }
0x85: {  	[sflag:s30] =	ssyncset.done $0x0  }
0x86: {  	[sflag:s30] =	ssyncadd.s32 $0xFFFFC000  }
0x87: {  	_ =	swait.ge [sflag:s31], $0x4000  }
0x88: {  	[sflag:s31] =	ssyncset.done $0x0  }
0x89: {  	[sflag:s31] =	ssyncadd.s32 $0xFFFFC000  }
0x8a: {  	_ =	swait.ge [sflag:s25], $0x800  }
0x8b: {  	[sflag:s25] =	ssyncset.done $0x0  }
0x8c: {  	s13 =	rddreg [dreg:$0x9];
	[sflag:s25] =	ssyncadd.s32 $0xFFFFF800  }
0x8d: {  	[tilespmem:s9], [sflag:$0x5] =	stream.linear.gather [hbm4b:s13+s3], $0x10, $0x38;
	[tilespmem:$0x1CB00] =	vst v63  }
0x8e: {  	_ =	swait.ge [sflag:s21], $0x10  }
0x8f: {  	[sflag:s21] =	ssyncset.done $0x0  }
0x90: {  	[sflag:s21] =	ssyncadd.s32 $0xFFFFFFF0  }
0x91: {  	[spmem:s2] =	stream.indirect.scatter.add.f32 [tilespmem:s6], [sflag:$0x5], $0x80, s9, s1, $0xb8;
	[tilespmem:$0x1CB00] =	vst v63  }
0x92: {  	_ =	swait.ge [sflag:s21], $0x800  }
0x93: {  	s10 =	sadd.s32 $0x1, s10;
	[sflag:s21] =	ssyncset.done $0x0  }
0x94: {  	p0 =	sne.s32 s10, s15;
	[sflag:s21] =	ssyncadd.s32 $0xFFFFF800  }
.Ltmp1:
0x95: {  	[bflag:$0x0] =	sbarrier.arrive $0xFFFF;
	(pc) =	sbr.rel @p0 .LBB2_1-.Ltmp1, $4  }
0x96: {  	[hbm:s14], [sflag:s7] =	dma.local [spmem:s20], $0x2800  }
0x97: {  	_ =	swait.ge [sflag:s21], $0x2800  }
0x98: {  	[sflag:s21] =	ssyncset.done $0x0  }
0x99: {  	[sflag:s21] =	ssyncadd.s32 $0xFFFFD800  }
0x9a: {  	_ =	sfence.sel $0x180000  }
0x9b: {  	[bflag:$0x0] =	sbarrier.arrive $0xFFFF  }
0x9c: {  	_ =	strace $0x9000004A  }
0x9d: {  	s0 =	stileid.u32;
	[bflag:$0x2] =	sbarrier.arrive $0xFFFF  }
0x9e: {  	p0 =	sne.s32 s0, $0x0;
	s0 =	rddreg [dreg:$0x2]  }
0x9f: {  	s0 =	sadd.s32 @!p0 $0x100000, s0  }
0xa0: {  	[sflag:s0] =	ssyncadd.tile.s32 @!p0 $0x1;
	_ =	shalt  }
.Lfunc_end2:
_tile_overlayer_lowered:
.L_overlay_start_2:
0xa1: {  	(tag) =	ssettag $0x2  }
0xa2: {  	s0 =	rddreg [dreg:$0x0];
	s2 =	stileid.u32  }
0xa3: {  	s1 =	rddreg [dreg:$0x1];
	p0 =	sne.s32 s2, $0x0  }
0xa4: {  	s3 =	rddreg [dreg:$0x2];
	[bflag:$0x3] =	sbarrier.arrive $0xFFFF;
	s2 =	simm.s32 @!p0 $0x1C05  }
0xa5: {  	[timem:s3], [sflag:s2] =	dma.local @!p0 [hbm:s0], s1  }
0xa6: {  	s0 =	simm.s32 @!p0 $0x5  }
0xa7: {  	_ =	swait.ge @!p0 [sflag:s0], s1  }
0xa8: {  	s1 =	ssub.s32 @!p0 $0x0, s1;
	[sflag:s0] =	ssyncset.done @!p0 $0x0  }
0xa9: {  	[sflag:s0] =	ssyncadd.s32 @!p0 s1  }
0xaa: {  	[bflag:$0x3] =	sbarrier.arrive $0xFFFF  }
0xab: {  	_ =	shalt  }

// kernel: kernel.14.cloned.1.call-start
scs
__scs_entry_jumppad:
0x0: {  	(pc) =	sbr.rel $0x88, $3  }
0x1: {  	(tag) =	ssettag $0x0;
	lr =	simm.s32 $0x1  }
0x2: {  	[smem:$0x3F93] =	sst lr;
	_ =	strace $0xD0000000  }
0x3: {  	_ = 	snop  }
0x4: {  	_ = 	snop  }
0x5: {  	_ = 	snop  }
0x6: {  	_ = 	snop  }
0x7: {  	_ = 	snop  }
__scs_overlays_trampoline_lowered:
0x8: {  	[smem:$0x3FA2] =	sst s0  }
0x9: {  	[smem:$0x3FA3] =	sst s1  }
0xa: {  	[smem:$0x3FA4] =	sst s2  }
0xb: {  	[smem:$0x3FA5] =	sst s3  }
0xc: {  	[smem:$0x3FA6] =	sst s4  }
0xd: {  	[smem:$0x3FA7] =	sst s5  }
0xe: {  	[smem:$0x3FA8] =	sst s6  }
0xf: {  	[smem:$0x3FA9] =	sst s7  }
0x10: {  	[smem:$0x3FAA] =	sst s8  }
0x11: {  	[smem:$0x3FAB] =	sst s9;
	s0 =	simm.s32 @!p0 $0x0  }
0x12: {  	s1 =	sld [smem:$0x3F91];
	s0 =	simm.s32 @p0 $0x1  }
0x13: {  	[smem:$0x3FAC] =	sst s0;
	s0 =	simm.s32 @!p1 $0x0  }
0x14: {  	s2 =	sld [smem:$0x3F90];
	s0 =	simm.s32 @p1 $0x1  }
0x15: {  	[smem:$0x3FAD] =	sst s0;
	s0 =	simm.s32 @!p2 $0x0  }
0x16: {  	s3 =	sld [smem:$0x3FDB];
	s0 =	simm.s32 @p2 $0x1  }
0x17: {  	s4 =	simm.s32 $0x1BF5;
	[smem:$0x3FAF] =	sst s0  }
0x18: {  	s0 =	sld [smem:$0x3F92];
	_ =	swait.ge [sflag:s4], $0x0  }
0x19: {  	s7 =	sld [smem:$0x3F93]  }
0x1a: {  	s8 =	sadd.s32 $0xFFFFE003, lr  }
0x1b: {  	s9 =	sadd.s32 $0xFFFFFEF7, lr;
	s5 =	simm.s32 $0xFFFFFFFF;
	p2 =	slt.u32 s8, $0xFFFFF086  }
0x1c: {  	p1 =	slt.u32 s9, $0xF7A;
	s5 =	simm.s32 @!p2 $0x0  }
0x1d: {  	s5 =	simm.s32 @p1 $0x1;
	p0 =	seq.s32 s7, s2  }
0x1e: {  	s7 =	smul.u32 @!p0 $0xF7A, s2;
	p2 =	seq.s32 @!p0 s5, $0x0  }
0x1f: {  	s9 =	smul.u32 $0xF7A, s1;
	s8 =	simm.s32 @!p0 $0x1BF5;
	p2 =	por !p2, p0  }
0x20: {  	[sflag:s8] =	ssyncset.s32 @!p0 $0xFFFFF086;
	s6 =	sadd.s32 @!p0 s3, s7;
	s7 =	simm.s32 @!p0 $0x108  }
0x21: {  	s3 =	sadd.s32 s3, s9;
	s6 =	sadd.s32 @!p0 $0x88, s6;
	s7 =	simm.s32 @p2 $0x1082  }
0x22: {  	[simem:s7], [sflag:s8] =	dma.local @!p0 [hbm:s6], $0xF7A  }
0x23: {  	s9 =	sor.u32 $0xD0000000, s2;
	s6 =	simm.s32 $0x108;
	_ =	swait.ge @!p0 [sflag:s8], $0x0  }
0x24: {  	s3 =	sadd.s32 $0x88, s3;
	s6 =	simm.s32 @!p1 $0x1082;
	[sflag:s4] =	ssyncset.s32 $0xFFFFF086  }
0x25: {  	[simem:s6], [sflag:s4] =	dma.local [hbm:s3], $0xF7A  }
0x26: {  	[smem:$0x3F93] =	sst s1;
	(tag) =	ssettag s2;
	_ =	strace s9  }
0x27: {  	s1 =	sld [smem:$0x3FA3]  }
0x28: {  	s2 =	sld [smem:$0x3FA4]  }
0x29: {  	s4 =	sld [smem:$0x3FA6]  }
0x2a: {  	p0 =	seq.s32 s5, $0x0;
	s5 =	sld [smem:$0x3FA7]  }
0x2b: {  	s6 =	sld [smem:$0x3FA8]  }
0x2c: {  	s7 =	sld [smem:$0x3FA9]  }
0x2d: {  	s3 =	simm.s32 $0x108;
	s8 =	sld [smem:$0x3FAA]  }
0x2e: {  	s3 =	simm.s32 @!p0 $0x1082;
	s9 =	sld [smem:$0x3FAB]  }
0x2f: {  	lr =	sadd.s32 s0, s3;
	s0 =	sld [smem:$0x3FA2]  }
0x30: {  	s3 =	sld [smem:$0x3FA5]  }
0x31: {  	[smem:$0x3FAE] =	sst s10  }
0x32: {  	s10 =	sld [smem:$0x3FAC];
	_ =	sdelay $0x3  }
0x33: {  	p0 =	seq.s32 s10, $0x1;
	s10 =	sld [smem:$0x3FAE];
	_ =	sdelay $0x3  }
0x34: {  	[smem:$0x3FAE] =	sst s10  }
0x35: {  	s10 =	sld [smem:$0x3FAD];
	_ =	sdelay $0x3  }
0x36: {  	p1 =	seq.s32 s10, $0x1;
	s10 =	sld [smem:$0x3FAE];
	_ =	sdelay $0x3  }
0x37: {  	[smem:$0x3FAE] =	sst s10  }
0x38: {  	s10 =	sld [smem:$0x3FAF]  }
0x39: {  	_ = 	snop;
	(pc) =	sbr.ind lr, $3  }
0x3a: {  	_ = 	snop  }
0x3b: {  	_ = 	snop  }
0x3c: {  	p2 =	seq.s32 s10, $0x1;
	s10 =	sld [smem:$0x3FAE]  }
0x3d: {  	_ =	shalt  }
0x3e: {  	_ =	shalt  }
0x3f: {  	_ =	shalt  }
0x40: {  	_ =	shalt  }
0x41: {  	_ =	shalt  }
0x42: {  	_ =	shalt  }
0x43: {  	_ =	shalt  }
0x44: {  	_ =	shalt  }
0x45: {  	_ =	shalt  }
0x46: {  	_ =	shalt  }
0x47: {  	_ =	shalt  }
0x48: {  	_ =	shalt  }
0x49: {  	_ =	shalt  }
0x4a: {  	_ =	shalt  }
0x4b: {  	_ =	shalt  }
0x4c: {  	_ =	shalt  }
0x4d: {  	_ =	shalt  }
0x4e: {  	_ =	shalt  }
0x4f: {  	_ =	shalt  }
0x50: {  	_ =	shalt  }
0x51: {  	_ =	shalt  }
0x52: {  	_ =	shalt  }
0x53: {  	_ =	shalt  }
0x54: {  	_ =	shalt  }
0x55: {  	_ =	shalt  }
0x56: {  	_ =	shalt  }
0x57: {  	_ =	shalt  }
0x58: {  	_ =	shalt  }
0x59: {  	_ =	shalt  }
0x5a: {  	_ =	shalt  }
0x5b: {  	_ =	shalt  }
0x5c: {  	_ =	shalt  }
0x5d: {  	_ =	shalt  }
0x5e: {  	_ =	shalt  }
0x5f: {  	_ =	shalt  }
0x60: {  	_ =	shalt  }
0x61: {  	_ =	shalt  }
0x62: {  	_ =	shalt  }
0x63: {  	_ =	shalt  }
0x64: {  	_ =	shalt  }
0x65: {  	_ =	shalt  }
0x66: {  	_ =	shalt  }
0x67: {  	_ =	shalt  }
0x68: {  	_ =	shalt  }
0x69: {  	_ =	shalt  }
0x6a: {  	_ =	shalt  }
0x6b: {  	_ =	shalt  }
0x6c: {  	_ =	shalt  }
0x6d: {  	_ =	shalt  }
0x6e: {  	_ =	shalt  }
0x6f: {  	_ =	shalt  }
0x70: {  	_ =	shalt  }
0x71: {  	_ =	shalt  }
0x72: {  	_ =	shalt  }
0x73: {  	_ =	shalt  }
0x74: {  	_ =	shalt  }
0x75: {  	_ =	shalt  }
0x76: {  	_ =	shalt  }
0x77: {  	_ =	shalt  }
0x78: {  	_ =	shalt  }
0x79: {  	_ =	shalt  }
0x7a: {  	_ =	shalt  }
0x7b: {  	_ =	shalt  }
0x7c: {  	_ =	shalt  }
0x7d: {  	_ =	shalt  }
0x7e: {  	_ =	shalt  }
0x7f: {  	_ =	shalt  }
0x80: {  	_ =	shalt  }
0x81: {  	_ =	shalt  }
0x82: {  	_ =	shalt  }
0x83: {  	_ =	shalt  }
0x84: {  	_ =	shalt  }
0x85: {  	_ =	shalt  }
0x86: {  	_ =	shalt  }
0x87: {  	_ =	shalt  }
.Lfunc_end0:
.L_simem_size_0:
called_computation.2_lowered:
.L_overlay_start_0:
0x88: {  	s2 =	sld [smem:$0x3FD9]  }
0x89: {  	s3 =	sld [smem:$0x3FFE];
	_ =	sdelay $0x1  }
0x8a: {  	s1 =	srdreg.scid  }
0x8b: {  	s0 =	sand.u32 $0x1, s1  }
0x8c: {  	s16 =	sshll.u32 s0, $0xA;
	s2 =	sadd.s32 s3, s2  }
0x8d: {  	s2 =	sadd.s32 s2, s16  }
0x8e: {  	[smem:$0x3FBA] =	sst s2  }
0x8f: {  	_ = 	snop  }
0x90: {  	(tm) =	ssettm $0x1  }
0x91: {  	s17 =	sld [smem:$0x3FFB];
	_ =	sdelay $0x3  }
0x92: {  	_ =	strace s17  }
0x93: {  	s2 =	sld [smem:$0x3FFC];
	_ =	sdelay $0x3  }
0x94: {  	_ =	strace s2  }
0x95: {  	s2 =	sld [smem:$0x3FFD];
	_ =	sdelay $0x3  }
0x96: {  	_ =	strace s2  }
0x97: {  	_ =	strace $0x8FFFFFFF  }
0x98: {  	s18 =	sld [smem:$0x3FDB];
	_ =	sdelay $0x1  }
0x99: {  	s19 =	simm.s32 $_scs_section_size  }
0x9a: {  	s4 =	simm.s32 $_size__tile_overlayer_lowered;
	s5 =	simm.s32 $_tile_overlayer_lowered  }
0x9b: {  	s22 =	simm.s32 $0x1BFF;
	s21 =	sshll.u32 s5, $0x1;
	s2 =	sadd.s32 s19, s18  }
0x9c: {  	s6 =	simm.s32 $0x0;
	s20 =	sshll.u32 s4, $0x1;
	s4 =	sadd.s32 s21, s2  }
0x9d: {  	[timem:s6], [sflag:s22] =	dma.local [hbm:s4], s20  }
0x9e: {  	_ =	swait.ge [sflag:s22], s20  }
0x9f: {  	s3 =	ssub.s32 $0x0, s20;
	[sflag:s22] =	ssyncset.done $0x0  }
0xa0: {  	[sflag:s22] =	ssyncadd.s32 s3;
	_ =	sdelay $0x1  }
0xa1: {  	s23 =	simm.s32 $0x1B8B  }
0xa2: {  	_ =	swait.ge [sflag:s23], $0x1  }
0xa3: {  	[sflag:s23] =	ssyncset.done $0x0  }
0xa4: {  	s25 =	simm.s32 $0x1B8E;
	s24 =	sld [smem:$0x3FFE];
	[sflag:s23] =	ssyncadd.s32 $0xFFFFFFFF  }
0xa5: {  	s26 =	simm.s32 $execute0_lowered;
	[smem:$0x3FD2] =	sst s25  }
0xa6: {  	s4 =	sshll.u32 s26, $0x1;
	_ =	strace $0x8000004C;
	[dreg:$0x1] =	wrdreg $0xFFFFFFFF  }
0xa7: {  	s28 =	simm.s32 $_size_execute0_lowered;
	s2 =	sadd.s32 s2, s4;
	[dreg:$0x0] =	wrdreg $0x0  }
0xa8: {  	s4 =	sshll.u32 s28, $0x1;
	[dreg:$0x2] =	wrdreg s2  }
0xa9: {  	[dreg:$0x3] =	wrdreg s4  }
0xaa: {  	[dreg:$0x4] =	wrdreg $0xC0  }
0xab: {  	_ =	task [dreg:s6], $0x5FFFF  }
0xac: {  	[dreg:$0x1] =	wrdreg $0xFFFFFFFF  }
0xad: {  	[dreg:$0x0] =	wrdreg $0x60  }
0xae: {  	[dreg:$0x2] =	wrdreg s24  }
0xaf: {  	[dreg:$0x3] =	wrdreg $0x8B000  }
0xb0: {  	[dreg:$0x4] =	wrdreg $0x9  }
0xb1: {  	_ =	task.clear_ibuf [dreg:s6], $0x5FFFF;
	_ =	strace $0x9000004C  }
0xb2: {  	s29 =	simm.s32 $0x9;
	_ =	strace $0x8000004E  }
0xb3: {  	_ =	swait.ge [sflag:s29], $0x1  }
0xb4: {  	[sflag:s29] =	ssyncadd.s32 $0xFFFFFFFF  }
0xb5: {  	_ =	strace $0x9000004E  }
0xb6: {  	_ =	sfence  }
0xb7: {  	s30 =	sld [smem:$0x0];
	_ =	sdelay $0x2  }
0xb8: {  	s31 =	sshll.u32 s1, $0xD;
	s1 =	sshrl.u32 s1, $0x2  }
0xb9: {  	s3 =	sand.u32 $0x4000, s31;
	s1 =	sadd.s32 s1, s30  }
0xba: {  	s0 =	sor.u32 s3, s0;
	s1 =	sshll.u32 s1, $0x11  }
0xbb: {  	s0 =	sor.u32 s1, s0  }
0xbc: {  	s0 =	sadd.s32 $0x8F2B, s0  }
0xbd: {  	[sflag:s0] =	ssyncadd.remote.s32 $0x1  }
0xbe: {  	_ =	sfence.sel $0xFFFF  }
0xbf: {  	[dreg:$0x0] =	wrdreg $0xFFFFFFFF;
	(pc) =	sbr.abs _section_cstart, $3  }
0xc0: {  	[dreg:$0x1] =	wrdreg $0xFFFFFFFF  }
0xc1: {  	_ =	task.clear_ibuf [dreg:s6], $0x2FFFF;
	_ =	strace $0x9FFFFFFF  }
0xc2: {  	(tm) =	ssettm $0x7FFFFFFF  }
0xc3: {  	_ =	shalt  }
tec
execute0_lowered:
.L_overlay_start_1:
0x0: {  	(tag) =	ssettag $0x1  }
0x1: {  	s0 =	rddreg [dreg:$0x0]  }
0x2: {  	s2 =	rddreg [dreg:$0x1];
	s3 =	simm.s32 $0x0;
	s13 =	stileid.u32  }
0x3: {  	s4 =	srdreg.scid;
	s28 =	simm.s32 $0x2;
	s29 =	simm.s32 $0x180  }
0x4: {  	s30 =	simm.s32 $0x3;
	s31 =	simm.s32 $0x4;
	[smem:$0x7FF] =	sst s3  }
0x5: {  	s1 =	smul.u32 $0x14000, s13;
	s6 =	sand.u32 $0x1, s4;
	s4 =	sadd.s32 $0x67400, s0  }
0x6: {  	s5 =	sadd.s32 $0xCE00, s0;
	s9 =	sadd.s32 $0x3000, s0;
	s15 =	smul.u32 $0x50000, s13  }
0x7: {  	s10 =	sshll.u32 s13, $0x1;
	s17 =	sshll.u32 s13, $0x6;
	s19 =	smul.u32 $0x4E20, s13  }
0x8: {  	_ =	strace $0x8000004D;
	s8 =	smul.u32 $0x140000, s6;
	s11 =	ssub.s32 $0x2, s6  }
0x9: {  	s10 =	sor.u32 s6, s10;
	s6 =	smul.u32 $0x2710, s6;
	s7 =	sshrl.u32 s1, $0x3  }
0xa: {  	s12 =	sshrl.u32 s11, $0x1;
	s10 =	smul.u32 $0x2710, s10;
	s7 =	sadd.s32 s7, s0  }
0xb: {  	s1 =	sadd.s32 s1, s8;
	s8 =	sshrl.u32 s15, $0x2;
	s16 =	ssub.s32 s11, s12  }
0xc: {  	s6 =	sadd.s32 s6, s19;
	s1 =	sshrl.u32 s1, $0x3;
	s8 =	sadd.s32 s8, s2  }
0xd: {  	s7 =	sadd.s32 $0x17400, s7;
	s10 =	sshrl.u32 s10, $0x3;
	s15 =	smax.u32 s16, $0x1  }
0xe: {  	s23 =	sadd.s32 $0x180, s6;
	s24 =	sshrl.u32 s6, $0x3;
	s25 =	sadd.s32 $0x80, s6  }
0xf: {  	s0 =	sadd.s32 s1, s0;
	[dreg:$0x3] =	wrdreg s7;
	s7 =	sor.u32 $0x1C05, s17  }
0x10: {  	s18 =	sadd.s32 s5, s10;
	s20 =	sadd.s32 s9, s10;
	s10 =	sadd.s32 $0x4E0, s10  }
0x11: {  	s16 =	sadd.s32 s24, s9;
	s26 =	sshrl.u32 s25, $0x3;
	s24 =	simm.s32 $0x4300  }
0x12: {  	s25 =	simm.s32 $0x1;
	s1 =	simm.s32 $0x10;
	[dreg:$0x4] =	wrdreg s18  }
0x13: {  	s12 =	sadd.s32 $0x10, s18;
	s21 =	sadd.s32 $0x4C0, s20;
	s22 =	sadd.s32 s5, s10  }
0x14: {  	s10 =	sadd.s32 s9, s10;
	s14 =	sadd.s32 $0x8E600, s0;
	s0 =	sshrl.u32 s23, $0x3  }
0x15: {  	s18 =	sadd.s32 $0x100, s6;
	s19 =	sadd.s32 s26, s9;
	[dreg:$0x5] =	wrdreg s12  }
0x16: {  	s23 =	simm.s32 $0x300;
	s26 =	simm.s32 $0x100;
	[dreg:$0x6] =	wrdreg s21  }
0x17: {  	s6 =	simm.s32 $0x8300;
	s9 =	simm.s32 $0x280;
	[dreg:$0x8] =	wrdreg s22  }
0x18: {  	s12 =	sadd.s32 $0x4D0, s20;
	[dreg:$0x9] =	wrdreg s10;
	s17 =	sadd.s32 s0, s5  }
0x19: {  	s20 =	sshrl.u32 s8, $0x3;
	s21 =	simm.s32 $0x5;
	s22 =	simm.s32 $0x80  }
0x1a: {  	s0 =	simm.s32 $0x200;
	s10 =	simm.s32 $0x0;
	[dreg:$0x7] =	wrdreg s12  }
.LBB2_1:
0x1b: {  	s8 =	rddreg [dreg:$0x3]  }
0x1c: {  	[spmem:s20], [sflag:s7] =	dma.local [hbm:s8], $0x2800  }
0x1d: {  	_ =	swait.ge [sflag:s21], $0x2800  }
0x1e: {  	[sflag:s21] =	ssyncset.done $0x0  }
0x1f: {  	[sflag:s21] =	ssyncadd.s32 $0xFFFFD800  }
0x20: {  	[bflag:$0x0] =	sbarrier.arrive $0xFFFF  }
0x21: {  	s11 =	rddreg [dreg:$0x4]  }
0x22: {  	[tilespmem:s3], [sflag:$0x5] =	stream.linear.gather [hbm4b:s11+s3], $0x80, $0x38;
	[tilespmem:$0x1CB00] =	vst v63  }
0x23: {  	_ =	swait.ge [sflag:s21], $0x80  }
0x24: {  	[sflag:s21] =	ssyncset.done $0x0  }
0x25: {  	[sflag:s21] =	ssyncadd.s32 $0xFFFFFF80  }
0x26: {  	[tilespmem:s23], [sflag:$0x1] =	stream.indirect.gather [hbm4b:s4+s22], $0x80, s3, s22, $0xb8;
	[tilespmem:$0x1CB00] =	vst v63  }
0x27: {  	s12 =	rddreg [dreg:$0x5]  }
0x28: {  	[tilespmem:s22], [sflag:$0x5] =	stream.linear.gather [hbm4b:s12+s3], $0x80, $0x38;
	[tilespmem:$0x1CB00] =	vst v63  }
0x29: {  	_ =	swait.ge [sflag:s21], $0x80  }
0x2a: {  	[sflag:s21] =	ssyncset.done $0x0  }
0x2b: {  	[sflag:s21] =	ssyncadd.s32 $0xFFFFFF80  }
0x2c: {  	[tilespmem:s24], [sflag:$0x2] =	stream.indirect.gather [hbm4b:s4+s22], $0x80, s22, s22, $0xb8;
	[tilespmem:$0x1CB00] =	vst v63  }
0x2d: {  	_ =	swait.ge [sflag:s25], $0x4000  }
0x2e: {  	[sflag:s25] =	ssyncset.done $0x0  }
0x2f: {  	s13 =	sadd.s32 $0x0, s16;
	[sflag:s25] =	ssyncadd.s32 $0xFFFFC000  }
0x30: {  	[tilespmem:s26], [sflag:$0x5] =	stream.linear.gather [hbm4b:s13+s3], $0x80, $0x38;
	[tilespmem:$0x1CB00] =	vst v63  }
0x31: {  	_ =	swait.ge [sflag:s21], $0x80  }
0x32: {  	[sflag:s21] =	ssyncset.done $0x0  }
0x33: {  	[sflag:s21] =	ssyncadd.s32 $0xFFFFFF80  }
0x34: {  	[spmem:s2] =	stream.indirect.scatter.add.f32 [tilespmem:s23], [sflag:$0x3], $0x80, s26, s22, $0xb8;
	[tilespmem:$0x1CB00] =	vst v63  }
0x35: {  	_ =	swait.ge [sflag:s28], $0x4000  }
0x36: {  	[sflag:s28] =	ssyncset.done $0x0  }
0x37: {  	s11 =	sadd.s32 $0x0, s19;
	[sflag:s28] =	ssyncadd.s32 $0xFFFFC000  }
0x38: {  	[tilespmem:s29], [sflag:$0x5] =	stream.linear.gather [hbm4b:s11+s3], $0x80, $0x38;
	[tilespmem:$0x1CB00] =	vst v63  }
0x39: {  	_ =	swait.ge [sflag:s21], $0x80  }
0x3a: {  	[sflag:s21] =	ssyncset.done $0x0  }
0x3b: {  	[sflag:s21] =	ssyncadd.s32 $0xFFFFFF80  }
0x3c: {  	[spmem:s2] =	stream.indirect.scatter.add.f32 [tilespmem:s24], [sflag:$0x4], $0x80, s29, s22, $0xb8;
	[tilespmem:$0x1CB00] =	vst v63  }
0x3d: {  	_ =	swait.ge [sflag:s30], $0x4000  }
0x3e: {  	s12 =	sshrl.u32 s18, $0x3;
	[sflag:s30] =	ssyncset.done $0x0  }
0x3f: {  	s8 =	sadd.s32 s5, s12;
	[sflag:s30] =	ssyncadd.s32 $0xFFFFC000  }
0x40: {  	[tilespmem:s3], [sflag:$0x5] =	stream.linear.gather [hbm4b:s8+s3], $0x80, $0x38;
	[tilespmem:$0x1CB00] =	vst v63  }
0x41: {  	_ =	swait.ge [sflag:s21], $0x80  }
0x42: {  	[sflag:s21] =	ssyncset.done $0x0  }
0x43: {  	[sflag:s21] =	ssyncadd.s32 $0xFFFFFF80  }
0x44: {  	[tilespmem:s23], [sflag:$0x1] =	stream.indirect.gather [hbm4b:s4+s22], $0x80, s3, s22, $0xb8;
	[tilespmem:$0x1CB00] =	vst v63  }
0x45: {  	_ =	swait.ge [sflag:s31], $0x4000  }
0x46: {  	[sflag:s31] =	ssyncset.done $0x0  }
0x47: {  	s13 =	sadd.s32 $0x0, s17;
	[sflag:s31] =	ssyncadd.s32 $0xFFFFC000  }
0x48: {  	[tilespmem:s22], [sflag:$0x5] =	stream.linear.gather [hbm4b:s13+s3], $0x80, $0x38;
	[tilespmem:$0x1CB00] =	vst v63  }
0x49: {  	_ =	swait.ge [sflag:s21], $0x80  }
0x4a: {  	[sflag:s21] =	ssyncset.done $0x0  }
0x4b: {  	s11 =	simm.s32 $0x20;
	s8 =	sadd.s32 $0x100, s18;
	[sflag:s21] =	ssyncadd.s32 $0xFFFFFF80  }
.LBB2_2:
0x4c: {  	[tilespmem:s24], [sflag:$0x2] =	stream.indirect.gather [hbm4b:s4+s22], $0x80, s22, s22, $0xb8;
	[tilespmem:$0x1CB00] =	vst v63  }
0x4d: {  	s12 =	smov.u32 s11  }
0x4e: {  	p0 =	sne.s32 s11, $0x4A0;
	s11 =	sadd.s32 $0x20, s11;
	_ =	swait.ge [sflag:s25], $0x4000  }
0x4f: {  	[sflag:s25] =	ssyncset.done $0x0  }
0x50: {  	s13 =	sadd.s32 s12, s16;
	[sflag:s25] =	ssyncadd.s32 $0xFFFFC000  }
0x51: {  	[tilespmem:s26], [sflag:$0x5] =	stream.linear.gather [hbm4b:s13+s3], $0x80, $0x38;
	[tilespmem:$0x1CB00] =	vst v63  }
0x52: {  	_ =	swait.ge [sflag:s21], $0x80  }
0x53: {  	[sflag:s21] =	ssyncset.done $0x0  }
0x54: {  	[sflag:s21] =	ssyncadd.s32 $0xFFFFFF80  }
0x55: {  	[spmem:s2] =	stream.indirect.scatter.add.f32 [tilespmem:s23], [sflag:$0x3], $0x80, s26, s22, $0xb8;
	[tilespmem:$0x1CB00] =	vst v63  }
0x56: {  	_ =	swait.ge [sflag:s28], $0x4000  }
0x57: {  	[sflag:s28] =	ssyncset.done $0x0  }
0x58: {  	s13 =	sadd.s32 s12, s19;
	[sflag:s28] =	ssyncadd.s32 $0xFFFFC000  }
0x59: {  	[tilespmem:s29], [sflag:$0x5] =	stream.linear.gather [hbm4b:s13+s3], $0x80, $0x38;
	[tilespmem:$0x1CB00] =	vst v63  }
0x5a: {  	_ =	swait.ge [sflag:s21], $0x80  }
0x5b: {  	[sflag:s21] =	ssyncset.done $0x0  }
0x5c: {  	[sflag:s21] =	ssyncadd.s32 $0xFFFFFF80  }
0x5d: {  	[spmem:s2] =	stream.indirect.scatter.add.f32 [tilespmem:s24], [sflag:$0x4], $0x80, s29, s22, $0xb8;
	[tilespmem:$0x1CB00] =	vst v63  }
0x5e: {  	_ =	swait.ge [sflag:s30], $0x4000  }
0x5f: {  	s13 =	sshrl.u32 s8, $0x3;
	[sflag:s30] =	ssyncset.done $0x0  }
0x60: {  	s13 =	sadd.s32 s5, s13;
	[sflag:s30] =	ssyncadd.s32 $0xFFFFC000  }
0x61: {  	[tilespmem:s3], [sflag:$0x5] =	stream.linear.gather [hbm4b:s13+s3], $0x80, $0x38;
	[tilespmem:$0x1CB00] =	vst v63  }
0x62: {  	_ =	swait.ge [sflag:s21], $0x80  }
0x63: {  	[sflag:s21] =	ssyncset.done $0x0  }
0x64: {  	[sflag:s21] =	ssyncadd.s32 $0xFFFFFF80  }
0x65: {  	[tilespmem:s23], [sflag:$0x1] =	stream.indirect.gather [hbm4b:s4+s22], $0x80, s3, s22, $0xb8;
	[tilespmem:$0x1CB00] =	vst v63  }
0x66: {  	_ =	swait.ge [sflag:s31], $0x4000  }
0x67: {  	[sflag:s31] =	ssyncset.done $0x0  }
.Ltmp0:
0x68: {  	s12 =	sadd.s32 s12, s17;
	[sflag:s31] =	ssyncadd.s32 $0xFFFFC000;
	(pc) =	sbr.rel @p0 .LBB2_2-.Ltmp0, $4  }
0x69: {  	[tilespmem:s22], [sflag:$0x5] =	stream.linear.gather [hbm4b:s12+s3], $0x80, $0x38;
	[tilespmem:$0x1CB00] =	vst v63  }
0x6a: {  	_ =	swait.ge [sflag:s21], $0x80  }
0x6b: {  	[sflag:s21] =	ssyncset.done $0x0  }
0x6c: {  	s8 =	sadd.s32 $0x100, s8;
	[sflag:s21] =	ssyncadd.s32 $0xFFFFFF80  }
0x6d: {  	[tilespmem:s24], [sflag:$0x2] =	stream.indirect.gather [hbm4b:s4+s22], $0x80, s22, s22, $0xb8;
	[tilespmem:$0x1CB00] =	vst v63  }
0x6e: {  	_ =	swait.ge [sflag:s25], $0x4000  }
0x6f: {  	[sflag:s25] =	ssyncset.done $0x0  }
0x70: {  	s8 =	rddreg [dreg:$0x6];
	[sflag:s25] =	ssyncadd.s32 $0xFFFFC000  }
0x71: {  	[tilespmem:s26], [sflag:$0x5] =	stream.linear.gather [hbm4b:s8+s3], $0x80, $0x38;
	[tilespmem:$0x1CB00] =	vst v63  }
0x72: {  	_ =	swait.ge [sflag:s21], $0x80  }
0x73: {  	[sflag:s21] =	ssyncset.done $0x0  }
0x74: {  	[sflag:s21] =	ssyncadd.s32 $0xFFFFFF80  }
0x75: {  	[spmem:s2] =	stream.indirect.scatter.add.f32 [tilespmem:s23], [sflag:$0x3], $0x80, s26, s22, $0xb8;
	[tilespmem:$0x1CB00] =	vst v63  }
0x76: {  	_ =	swait.ge [sflag:s28], $0x4000  }
0x77: {  	[sflag:s28] =	ssyncset.done $0x0  }
0x78: {  	s11 =	rddreg [dreg:$0x7];
	[sflag:s28] =	ssyncadd.s32 $0xFFFFC000  }
0x79: {  	[tilespmem:s29], [sflag:$0x5] =	stream.linear.gather [hbm4b:s11+s3], $0x80, $0x38;
	[tilespmem:$0x1CB00] =	vst v63  }
0x7a: {  	_ =	swait.ge [sflag:s21], $0x80  }
0x7b: {  	[sflag:s21] =	ssyncset.done $0x0  }
0x7c: {  	[sflag:s21] =	ssyncadd.s32 $0xFFFFFF80  }
0x7d: {  	[spmem:s2] =	stream.indirect.scatter.add.f32 [tilespmem:s24], [sflag:$0x4], $0x80, s29, s22, $0xb8;
	[tilespmem:$0x1CB00] =	vst v63  }
0x7e: {  	s12 =	rddreg [dreg:$0x8]  }
0x7f: {  	[tilespmem:s0], [sflag:$0x5] =	stream.linear.gather [hbm4b:s12+s3], $0x10, $0x38;
	[tilespmem:$0x1CB00] =	vst v63  }
0x80: {  	_ =	swait.ge [sflag:s21], $0x10  }
0x81: {  	[sflag:s21] =	ssyncset.done $0x0  }
0x82: {  	[sflag:s21] =	ssyncadd.s32 $0xFFFFFFF0  }
0x83: {  	[tilespmem:s6], [sflag:$0x1] =	stream.indirect.gather [hbm4b:s4+s1], $0x80, s0, s1, $0xb8;
	[tilespmem:$0x1CB00] =	vst v63  }
0x84: {  	_ =	swait.ge [sflag:s30], $0x4000  }
0x85: {  	[sflag:s30] =	ssyncset.done $0x0  }
0x86: {  	[sflag:s30] =	ssyncadd.s32 $0xFFFFC000  }
0x87: {  	_ =	swait.ge [sflag:s31], $0x4000  }
0x88: {  	[sflag:s31] =	ssyncset.done $0x0  }
0x89: {  	[sflag:s31] =	ssyncadd.s32 $0xFFFFC000  }
0x8a: {  	_ =	swait.ge [sflag:s25], $0x800  }
0x8b: {  	[sflag:s25] =	ssyncset.done $0x0  }
0x8c: {  	s13 =	rddreg [dreg:$0x9];
	[sflag:s25] =	ssyncadd.s32 $0xFFFFF800  }
0x8d: {  	[tilespmem:s9], [sflag:$0x5] =	stream.linear.gather [hbm4b:s13+s3], $0x10, $0x38;
	[tilespmem:$0x1CB00] =	vst v63  }
0x8e: {  	_ =	swait.ge [sflag:s21], $0x10  }
0x8f: {  	[sflag:s21] =	ssyncset.done $0x0  }
0x90: {  	[sflag:s21] =	ssyncadd.s32 $0xFFFFFFF0  }
0x91: {  	[spmem:s2] =	stream.indirect.scatter.add.f32 [tilespmem:s6], [sflag:$0x5], $0x80, s9, s1, $0xb8;
	[tilespmem:$0x1CB00] =	vst v63  }
0x92: {  	_ =	swait.ge [sflag:s21], $0x800  }
0x93: {  	s10 =	sadd.s32 $0x1, s10;
	[sflag:s21] =	ssyncset.done $0x0  }
0x94: {  	p0 =	sne.s32 s10, s15;
	[sflag:s21] =	ssyncadd.s32 $0xFFFFF800  }
.Ltmp1:
0x95: {  	[bflag:$0x0] =	sbarrier.arrive $0xFFFF;
	(pc) =	sbr.rel @p0 .LBB2_1-.Ltmp1, $4  }
0x96: {  	[hbm:s14], [sflag:s7] =	dma.local [spmem:s20], $0x2800  }
0x97: {  	_ =	swait.ge [sflag:s21], $0x2800  }
0x98: {  	[sflag:s21] =	ssyncset.done $0x0  }
0x99: {  	[sflag:s21] =	ssyncadd.s32 $0xFFFFD800  }
0x9a: {  	_ =	sfence.sel $0x180000  }
0x9b: {  	[bflag:$0x0] =	sbarrier.arrive $0xFFFF  }
0x9c: {  	_ =	strace $0x9000004D  }
0x9d: {  	s0 =	stileid.u32;
	[bflag:$0x2] =	sbarrier.arrive $0xFFFF  }
0x9e: {  	p0 =	sne.s32 s0, $0x0;
	s0 =	rddreg [dreg:$0x2]  }
0x9f: {  	s0 =	sadd.s32 @!p0 $0x100000, s0  }
0xa0: {  	[sflag:s0] =	ssyncadd.tile.s32 @!p0 $0x1;
	_ =	shalt  }
.Lfunc_end2:
_tile_overlayer_lowered:
.L_overlay_start_2:
0xa1: {  	(tag) =	ssettag $0x2  }
0xa2: {  	s0 =	rddreg [dreg:$0x0];
	s2 =	stileid.u32  }
0xa3: {  	s1 =	rddreg [dreg:$0x1];
	p0 =	sne.s32 s2, $0x0  }
0xa4: {  	s3 =	rddreg [dreg:$0x2];
	[bflag:$0x3] =	sbarrier.arrive $0xFFFF;
	s2 =	simm.s32 @!p0 $0x1C05  }
0xa5: {  	[timem:s3], [sflag:s2] =	dma.local @!p0 [hbm:s0], s1  }
0xa6: {  	s0 =	simm.s32 @!p0 $0x5  }
0xa7: {  	_ =	swait.ge @!p0 [sflag:s0], s1  }
0xa8: {  	s1 =	ssub.s32 @!p0 $0x0, s1;
	[sflag:s0] =	ssyncset.done @!p0 $0x0  }
0xa9: {  	[sflag:s0] =	ssyncadd.s32 @!p0 s1  }
0xaa: {  	[bflag:$0x3] =	sbarrier.arrive $0xFFFF  }
0xab: {  	_ =	shalt  }

// kernel: kernel.8.cloned.1.call-start
scs
__scs_entry_jumppad:
0x0: {  	(pc) =	sbr.rel $0x88, $3  }
0x1: {  	(tag) =	ssettag $0x0;
	lr =	simm.s32 $0x1  }
0x2: {  	[smem:$0x3F93] =	sst lr;
	_ =	strace $0xD0000000  }
0x3: {  	_ = 	snop  }
0x4: {  	_ = 	snop  }
0x5: {  	_ = 	snop  }
0x6: {  	_ = 	snop  }
0x7: {  	_ = 	snop  }
__scs_overlays_trampoline_lowered:
0x8: {  	[smem:$0x3FA2] =	sst s0  }
0x9: {  	[smem:$0x3FA3] =	sst s1  }
0xa: {  	[smem:$0x3FA4] =	sst s2  }
0xb: {  	[smem:$0x3FA5] =	sst s3  }
0xc: {  	[smem:$0x3FA6] =	sst s4  }
0xd: {  	[smem:$0x3FA7] =	sst s5  }
0xe: {  	[smem:$0x3FA8] =	sst s6  }
0xf: {  	[smem:$0x3FA9] =	sst s7  }
0x10: {  	[smem:$0x3FAA] =	sst s8  }
0x11: {  	[smem:$0x3FAB] =	sst s9;
	s0 =	simm.s32 @!p0 $0x0  }
0x12: {  	s1 =	sld [smem:$0x3F91];
	s0 =	simm.s32 @p0 $0x1  }
0x13: {  	[smem:$0x3FAC] =	sst s0;
	s0 =	simm.s32 @!p1 $0x0  }
0x14: {  	s2 =	sld [smem:$0x3F90];
	s0 =	simm.s32 @p1 $0x1  }
0x15: {  	[smem:$0x3FAD] =	sst s0;
	s0 =	simm.s32 @!p2 $0x0  }
0x16: {  	s3 =	sld [smem:$0x3FDB];
	s0 =	simm.s32 @p2 $0x1  }
0x17: {  	s4 =	simm.s32 $0x1BF5;
	[smem:$0x3FAF] =	sst s0  }
0x18: {  	s0 =	sld [smem:$0x3F92];
	_ =	swait.ge [sflag:s4], $0x0  }
0x19: {  	s7 =	sld [smem:$0x3F93]  }
0x1a: {  	s8 =	sadd.s32 $0xFFFFE003, lr  }
0x1b: {  	s9 =	sadd.s32 $0xFFFFFEF7, lr;
	s5 =	simm.s32 $0xFFFFFFFF;
	p2 =	slt.u32 s8, $0xFFFFF086  }
0x1c: {  	p1 =	slt.u32 s9, $0xF7A;
	s5 =	simm.s32 @!p2 $0x0  }
0x1d: {  	s5 =	simm.s32 @p1 $0x1;
	p0 =	seq.s32 s7, s2  }
0x1e: {  	s7 =	smul.u32 @!p0 $0xF7A, s2;
	p2 =	seq.s32 @!p0 s5, $0x0  }
0x1f: {  	s9 =	smul.u32 $0xF7A, s1;
	s8 =	simm.s32 @!p0 $0x1BF5;
	p2 =	por !p2, p0  }
0x20: {  	[sflag:s8] =	ssyncset.s32 @!p0 $0xFFFFF086;
	s6 =	sadd.s32 @!p0 s3, s7;
	s7 =	simm.s32 @!p0 $0x108  }
0x21: {  	s3 =	sadd.s32 s3, s9;
	s6 =	sadd.s32 @!p0 $0x88, s6;
	s7 =	simm.s32 @p2 $0x1082  }
0x22: {  	[simem:s7], [sflag:s8] =	dma.local @!p0 [hbm:s6], $0xF7A  }
0x23: {  	s9 =	sor.u32 $0xD0000000, s2;
	s6 =	simm.s32 $0x108;
	_ =	swait.ge @!p0 [sflag:s8], $0x0  }
0x24: {  	s3 =	sadd.s32 $0x88, s3;
	s6 =	simm.s32 @!p1 $0x1082;
	[sflag:s4] =	ssyncset.s32 $0xFFFFF086  }
0x25: {  	[simem:s6], [sflag:s4] =	dma.local [hbm:s3], $0xF7A  }
0x26: {  	[smem:$0x3F93] =	sst s1;
	(tag) =	ssettag s2;
	_ =	strace s9  }
0x27: {  	s1 =	sld [smem:$0x3FA3]  }
0x28: {  	s2 =	sld [smem:$0x3FA4]  }
0x29: {  	s4 =	sld [smem:$0x3FA6]  }
0x2a: {  	p0 =	seq.s32 s5, $0x0;
	s5 =	sld [smem:$0x3FA7]  }
0x2b: {  	s6 =	sld [smem:$0x3FA8]  }
0x2c: {  	s7 =	sld [smem:$0x3FA9]  }
0x2d: {  	s3 =	simm.s32 $0x108;
	s8 =	sld [smem:$0x3FAA]  }
0x2e: {  	s3 =	simm.s32 @!p0 $0x1082;
	s9 =	sld [smem:$0x3FAB]  }
0x2f: {  	lr =	sadd.s32 s0, s3;
	s0 =	sld [smem:$0x3FA2]  }
0x30: {  	s3 =	sld [smem:$0x3FA5]  }
0x31: {  	[smem:$0x3FAE] =	sst s10  }
0x32: {  	s10 =	sld [smem:$0x3FAC];
	_ =	sdelay $0x3  }
0x33: {  	p0 =	seq.s32 s10, $0x1;
	s10 =	sld [smem:$0x3FAE];
	_ =	sdelay $0x3  }
0x34: {  	[smem:$0x3FAE] =	sst s10  }
0x35: {  	s10 =	sld [smem:$0x3FAD];
	_ =	sdelay $0x3  }
0x36: {  	p1 =	seq.s32 s10, $0x1;
	s10 =	sld [smem:$0x3FAE];
	_ =	sdelay $0x3  }
0x37: {  	[smem:$0x3FAE] =	sst s10  }
0x38: {  	s10 =	sld [smem:$0x3FAF]  }
0x39: {  	_ = 	snop;
	(pc) =	sbr.ind lr, $3  }
0x3a: {  	_ = 	snop  }
0x3b: {  	_ = 	snop  }
0x3c: {  	p2 =	seq.s32 s10, $0x1;
	s10 =	sld [smem:$0x3FAE]  }
0x3d: {  	_ =	shalt  }
0x3e: {  	_ =	shalt  }
0x3f: {  	_ =	shalt  }
0x40: {  	_ =	shalt  }
0x41: {  	_ =	shalt  }
0x42: {  	_ =	shalt  }
0x43: {  	_ =	shalt  }
0x44: {  	_ =	shalt  }
0x45: {  	_ =	shalt  }
0x46: {  	_ =	shalt  }
0x47: {  	_ =	shalt  }
0x48: {  	_ =	shalt  }
0x49: {  	_ =	shalt  }
0x4a: {  	_ =	shalt  }
0x4b: {  	_ =	shalt  }
0x4c: {  	_ =	shalt  }
0x4d: {  	_ =	shalt  }
0x4e: {  	_ =	shalt  }
0x4f: {  	_ =	shalt  }
0x50: {  	_ =	shalt  }
0x51: {  	_ =	shalt  }
0x52: {  	_ =	shalt  }
0x53: {  	_ =	shalt  }
0x54: {  	_ =	shalt  }
0x55: {  	_ =	shalt  }
0x56: {  	_ =	shalt  }
0x57: {  	_ =	shalt  }
0x58: {  	_ =	shalt  }
0x59: {  	_ =	shalt  }
0x5a: {  	_ =	shalt  }
0x5b: {  	_ =	shalt  }
0x5c: {  	_ =	shalt  }
0x5d: {  	_ =	shalt  }
0x5e: {  	_ =	shalt  }
0x5f: {  	_ =	shalt  }
0x60: {  	_ =	shalt  }
0x61: {  	_ =	shalt  }
0x62: {  	_ =	shalt  }
0x63: {  	_ =	shalt  }
0x64: {  	_ =	shalt  }
0x65: {  	_ =	shalt  }
0x66: {  	_ =	shalt  }
0x67: {  	_ =	shalt  }
0x68: {  	_ =	shalt  }
0x69: {  	_ =	shalt  }
0x6a: {  	_ =	shalt  }
0x6b: {  	_ =	shalt  }
0x6c: {  	_ =	shalt  }
0x6d: {  	_ =	shalt  }
0x6e: {  	_ =	shalt  }
0x6f: {  	_ =	shalt  }
0x70: {  	_ =	shalt  }
0x71: {  	_ =	shalt  }
0x72: {  	_ =	shalt  }
0x73: {  	_ =	shalt  }
0x74: {  	_ =	shalt  }
0x75: {  	_ =	shalt  }
0x76: {  	_ =	shalt  }
0x77: {  	_ =	shalt  }
0x78: {  	_ =	shalt  }
0x79: {  	_ =	shalt  }
0x7a: {  	_ =	shalt  }
0x7b: {  	_ =	shalt  }
0x7c: {  	_ =	shalt  }
0x7d: {  	_ =	shalt  }
0x7e: {  	_ =	shalt  }
0x7f: {  	_ =	shalt  }
0x80: {  	_ =	shalt  }
0x81: {  	_ =	shalt  }
0x82: {  	_ =	shalt  }
0x83: {  	_ =	shalt  }
0x84: {  	_ =	shalt  }
0x85: {  	_ =	shalt  }
0x86: {  	_ =	shalt  }
0x87: {  	_ =	shalt  }
.Lfunc_end0:
.L_simem_size_0:
called_computation_lowered:
.L_overlay_start_0:
0x88: {  	s2 =	sld [smem:$0x3FD9]  }
0x89: {  	s3 =	sld [smem:$0x3FFE];
	_ =	sdelay $0x1  }
0x8a: {  	s1 =	srdreg.scid  }
0x8b: {  	s0 =	sand.u32 $0x1, s1  }
0x8c: {  	s17 =	sshll.u32 s0, $0xA;
	s2 =	sadd.s32 s3, s2  }
0x8d: {  	s2 =	sadd.s32 s2, s17  }
0x8e: {  	[smem:$0x3FBA] =	sst s2  }
0x8f: {  	_ = 	snop  }
0x90: {  	s2 =	sld [smem:$0x3FD0];
	(tm) =	ssettm $0x1  }
0x91: {  	s18 =	sld [smem:$0x3FFB];
	_ =	sdelay $0x3  }
0x92: {  	_ =	strace s18  }
0x93: {  	s3 =	sld [smem:$0x3FFC];
	_ =	sdelay $0x3  }
0x94: {  	_ =	strace s3  }
0x95: {  	s3 =	sld [smem:$0x3FFD];
	_ =	sdelay $0x3  }
0x96: {  	_ =	strace s3  }
0x97: {  	_ =	strace $0x8FFFFFFF  }
0x98: {  	s19 =	sld [smem:$0x3FDB];
	_ =	sdelay $0x1  }
0x99: {  	s4 =	simm.s32 $_scs_section_size  }
0x9a: {  	s5 =	simm.s32 $_size__tile_overlayer_lowered;
	s6 =	simm.s32 $_tile_overlayer_lowered  }
0x9b: {  	s22 =	simm.s32 $0x1BFF;
	s21 =	sshll.u32 s6, $0x1;
	s3 =	sadd.s32 s4, s19  }
0x9c: {  	s7 =	simm.s32 $0x0;
	s20 =	sshll.u32 s5, $0x1;
	s5 =	sadd.s32 s21, s3  }
0x9d: {  	[timem:s7], [sflag:s22] =	dma.local [hbm:s5], s20  }
0x9e: {  	_ =	swait.ge [sflag:s22], s20  }
0x9f: {  	s4 =	ssub.s32 $0x0, s20;
	[sflag:s22] =	ssyncset.done $0x0  }
0xa0: {  	[sflag:s22] =	ssyncadd.s32 s4;
	_ =	sdelay $0x1  }
0xa1: {  	s23 =	simm.s32 $0x1B8B  }
0xa2: {  	_ =	swait.ge [sflag:s23], $0x1  }
0xa3: {  	[sflag:s23] =	ssyncset.done $0x0  }
0xa4: {  	s25 =	simm.s32 $0x1B8E;
	s24 =	sld [smem:$0x3FFE];
	[sflag:s23] =	ssyncadd.s32 $0xFFFFFFFF  }
0xa5: {  	s26 =	simm.s32 $execute0_lowered;
	[smem:$0x3FD2] =	sst s25  }
0xa6: {  	s5 =	sshll.u32 s26, $0x1;
	_ =	strace $0x80000046;
	[dreg:$0x1] =	wrdreg $0xFFFFFFFF  }
0xa7: {  	s28 =	simm.s32 $_size_execute0_lowered;
	s3 =	sadd.s32 s3, s5;
	[dreg:$0x0] =	wrdreg $0x0  }
0xa8: {  	s5 =	sshll.u32 s28, $0x1;
	[dreg:$0x2] =	wrdreg s3  }
0xa9: {  	[dreg:$0x3] =	wrdreg s5  }
0xaa: {  	[dreg:$0x4] =	wrdreg $0xC0  }
0xab: {  	_ =	task [dreg:s7], $0x5FFFF  }
0xac: {  	[dreg:$0x1] =	wrdreg $0xFFFFFFFF  }
0xad: {  	[dreg:$0x0] =	wrdreg $0x60  }
0xae: {  	[dreg:$0x2] =	wrdreg s24  }
0xaf: {  	[dreg:$0x3] =	wrdreg s2  }
0xb0: {  	[dreg:$0x4] =	wrdreg $0x82000  }
0xb1: {  	[dreg:$0x5] =	wrdreg $0x9  }
0xb2: {  	_ =	task.clear_ibuf [dreg:s7], $0x6FFFF;
	_ =	strace $0x90000046  }
0xb3: {  	s29 =	simm.s32 $0x9;
	_ =	strace $0x80000048  }
0xb4: {  	_ =	swait.ge [sflag:s29], $0x1  }
0xb5: {  	[sflag:s29] =	ssyncadd.s32 $0xFFFFFFFF  }
0xb6: {  	_ =	strace $0x90000048  }
0xb7: {  	_ =	sfence  }
0xb8: {  	s30 =	sld [smem:$0x0];
	_ =	sdelay $0x2  }
0xb9: {  	s31 =	sshll.u32 s1, $0xD;
	s1 =	sshrl.u32 s1, $0x2  }
0xba: {  	s3 =	sand.u32 $0x4000, s31;
	s1 =	sadd.s32 s1, s30  }
0xbb: {  	s0 =	sor.u32 s3, s0;
	s1 =	sshll.u32 s1, $0x11  }
0xbc: {  	s0 =	sor.u32 s1, s0  }
0xbd: {  	s0 =	sadd.s32 $0x8F2B, s0  }
0xbe: {  	[sflag:s0] =	ssyncadd.remote.s32 $0x1  }
0xbf: {  	_ =	sfence.sel $0xFFFF  }
0xc0: {  	[dreg:$0x0] =	wrdreg $0xFFFFFFFF;
	(pc) =	sbr.abs _section_cstart, $3  }
0xc1: {  	[dreg:$0x1] =	wrdreg $0xFFFFFFFF  }
0xc2: {  	_ =	task.clear_ibuf [dreg:s7], $0x2FFFF;
	_ =	strace $0x9FFFFFFF  }
0xc3: {  	(tm) =	ssettm $0x7FFFFFFF  }
tec
execute0_lowered:
.L_overlay_start_1:
0x0: {  	(tag) =	ssettag $0x1  }
0x1: {  	s6 =	rddreg [dreg:$0x0]  }
0x2: {  	s2 =	rddreg [dreg:$0x1]  }
0x3: {  	s3 =	rddreg [dreg:$0x2]  }
0x4: {  	s0 =	rddreg [dreg:$0x3];
	s1 =	stileid.u32  }
0x5: {  	s5 =	srdreg.scid;
	s4 =	simm.s32 $0x0;
	s17 =	simm.s32 $0x4200  }
0x6: {  	s18 =	simm.s32 $0x80;
	s19 =	simm.s32 $0x100;
	s20 =	simm.s32 $0x10  }
0x7: {  	s21 =	simm.s32 $0x180;
	s7 =	smul.u32 $0x14000, s1;
	s8 =	sand.u32 $0x1, s5  }
0x8: {  	[smem:$0x7FF] =	sst s4;
	s13 =	sadd.s32 $0xCE00, s6;
	s14 =	smul.u32 $0x50000, s1  }
0x9: {  	s12 =	sadd.s32 $0x3000, s6;
	s5 =	sadd.s32 $0x16C00, s6;
	s28 =	smul.u32 $0x4E20, s1  }
0xa: {  	s23 =	sshll.u32 s1, $0x1;
	s29 =	sshll.u32 s1, $0x6;
	s9 =	smul.u32 $0x140000, s8  }
0xb: {  	_ =	strace $0x80000047;
	s11 =	ssub.s32 $0x2, s8;
	s16 =	smul.u32 $0x2710, s8  }
0xc: {  	s10 =	sshrl.u32 s7, $0x3;
	s24 =	sshrl.u32 s11, $0x1;
	s26 =	sshrl.u32 s14, $0x2  }
0xd: {  	s7 =	sadd.s32 s7, s9;
	s22 =	sadd.s32 s10, s6;
	s10 =	sor.u32 s8, s23  }
0xe: {  	s11 =	ssub.s32 s11, s24;
	s14 =	sadd.s32 s26, s3;
	s16 =	sadd.s32 s16, s28  }
0xf: {  	s7 =	sshrl.u32 s7, $0x3;
	s25 =	smul.u32 $0x2710, s10;
	s31 =	sshrl.u32 s16, $0x3  }
0x10: {  	s11 =	smax.u32 s11, $0x1;
	s14 =	sshrl.u32 s14, $0x3;
	s16 =	simm.s32 $0x200  }
0x11: {  	s15 =	sadd.s32 s7, s6;
	s6 =	sadd.s32 $0x17400, s22;
	s7 =	sshrl.u32 s25, $0x3  }
0x12: {  	s22 =	simm.s32 $0x0;
	s10 =	sadd.s32 $0x3F400, s15;
	s30 =	sadd.s32 $0x4E0, s7  }
0x13: {  	s15 =	simm.s32 $0x1;
	s7 =	sor.u32 $0x1C01, s29;
	s8 =	sadd.s32 s13, s30  }
0x14: {  	s9 =	sadd.s32 s12, s30;
	s12 =	sadd.s32 s31, s12;
	s13 =	sadd.s32 s31, s13  }
.LBB2_1:
0x15: {  	[spmem:s14], [sflag:s7] =	dma.local [hbm:s6], $0x2800  }
0x16: {  	_ =	swait.ge [sflag:s15], $0x2800  }
0x17: {  	[sflag:s15] =	ssyncset.done $0x0  }
0x18: {  	[sflag:s15] =	ssyncadd.s32 $0xFFFFD800  }
0x19: {  	[tilespmem:s16], [sflag:$0x1] =	stream.linear.gather [hbm4b:s2+s4], $0x4000, $0x38;
	[tilespmem:$0x1C200] =	vst v63  }
0x1a: {  	_ =	swait.ge [sflag:s15], $0x4000  }
0x1b: {  	[sflag:s15] =	ssyncset.done $0x0  }
0x1c: {  	[sflag:s15] =	ssyncadd.s32 $0xFFFFC000  }
0x1d: {  	[tilespmem:s17], [sflag:$0x1] =	stream.linear.gather [hbm4b:s5+s4], $0x4000, $0x38;
	[tilespmem:$0x1C200] =	vst v63  }
0x1e: {  	_ =	swait.ge [sflag:s15], $0x4000  }
0x1f: {  	[sflag:s15] =	ssyncset.done $0x0  }
0x20: {  	[sflag:s15] =	ssyncadd.s32 $0xFFFFC000  }
0x21: {  	s23 =	sadd.s32 $0x0, s13;
	[bflag:$0x0] =	sbarrier.arrive $0xFFFF  }
0x22: {  	[tilespmem:s4], [sflag:$0x1] =	stream.linear.gather [hbm4b:s23+s4], $0x80, $0x38;
	[tilespmem:$0x1C200] =	vst v63  }
0x23: {  	_ =	swait.ge [sflag:s15], $0x80  }
0x24: {  	[sflag:s15] =	ssyncset.done $0x0  }
0x25: {  	[sflag:s15] =	ssyncadd.s32 $0xFFFFFF80  }
0x26: {  	[spmem:s3] =	stream.indirect.scatter.add.f32 [tilespmem:s16], [sflag:$0x1], $0x80, s4, s18, $0xb8;
	[tilespmem:$0x1C200] =	vst v63  }
0x27: {  	_ =	swait.ge [sflag:s15], $0x4000  }
0x28: {  	[sflag:s15] =	ssyncset.done $0x0  }
0x29: {  	s31 =	sadd.s32 $0x0, s12;
	[sflag:s15] =	ssyncadd.s32 $0xFFFFC000  }
0x2a: {  	[tilespmem:s18], [sflag:$0x1] =	stream.linear.gather [hbm4b:s31+s4], $0x80, $0x38;
	[tilespmem:$0x1C200] =	vst v63  }
0x2b: {  	_ =	swait.ge [sflag:s15], $0x80  }
0x2c: {  	[sflag:s15] =	ssyncset.done $0x0  }
0x2d: {  	[sflag:s15] =	ssyncadd.s32 $0xFFFFFF80  }
0x2e: {  	[spmem:s3] =	stream.indirect.scatter.add.f32 [tilespmem:s17], [sflag:$0x1], $0x80, s18, s18, $0xb8;
	[tilespmem:$0x1C200] =	vst v63  }
0x2f: {  	_ =	swait.ge [sflag:s15], $0x4000  }
0x30: {  	s24 =	simm.s32 $0x20;
	s23 =	simm.s32 $0x10;
	[sflag:s15] =	ssyncset.done $0x0  }
.LBB2_2:
0x31: {  	s25 =	sadd.s32 s23, s13  }
0x32: {  	[sflag:s15] =	ssyncadd.s32 $0xFFFFC000;
	s26 =	smov.u32 s24;
	s28 =	sadd.s32 $0x10, s24  }
0x33: {  	[tilespmem:s4], [sflag:$0x1] =	stream.linear.gather [hbm4b:s25+s4], $0x80, $0x38;
	[tilespmem:$0x1C200] =	vst v63  }
0x34: {  	p0 =	sne.s32 s24, $0x4D0;
	_ =	swait.ge [sflag:s15], $0x80  }
0x35: {  	[sflag:s15] =	ssyncset.done $0x0  }
0x36: {  	[sflag:s15] =	ssyncadd.s32 $0xFFFFFF80  }
0x37: {  	[spmem:s3] =	stream.indirect.scatter.add.f32 [tilespmem:s16], [sflag:$0x1], $0x80, s4, s18, $0xb8;
	[tilespmem:$0x1C200] =	vst v63  }
0x38: {  	_ =	swait.ge [sflag:s15], $0x4000  }
0x39: {  	[sflag:s15] =	ssyncset.done $0x0  }
0x3a: {  	s24 =	sadd.s32 s23, s12;
	s23 =	smov.u32 s26;
	[sflag:s15] =	ssyncadd.s32 $0xFFFFC000  }
0x3b: {  	[tilespmem:s18], [sflag:$0x1] =	stream.linear.gather [hbm4b:s24+s4], $0x80, $0x38;
	[tilespmem:$0x1C200] =	vst v63  }
0x3c: {  	_ =	swait.ge [sflag:s15], $0x80  }
.Ltmp0:
0x3d: {  	[sflag:s15] =	ssyncset.done $0x0;
	(pc) =	sbr.rel @p0 .LBB2_2-.Ltmp0, $4  }
0x3e: {  	[sflag:s15] =	ssyncadd.s32 $0xFFFFFF80  }
0x3f: {  	[spmem:s3] =	stream.indirect.scatter.add.f32 [tilespmem:s17], [sflag:$0x1], $0x80, s18, s18, $0xb8;
	[tilespmem:$0x1C200] =	vst v63  }
0x40: {  	_ =	swait.ge [sflag:s15], $0x4000  }
0x41: {  	s24 =	smov.u32 s28;
	[sflag:s15] =	ssyncset.done $0x0  }
0x42: {  	s24 =	sadd.s32 s23, s13;
	[sflag:s15] =	ssyncadd.s32 $0xFFFFC000  }
0x43: {  	[tilespmem:s4], [sflag:$0x1] =	stream.linear.gather [hbm4b:s24+s4], $0x80, $0x38;
	[tilespmem:$0x1C200] =	vst v63  }
0x44: {  	_ =	swait.ge [sflag:s15], $0x80  }
0x45: {  	[sflag:s15] =	ssyncset.done $0x0  }
0x46: {  	[sflag:s15] =	ssyncadd.s32 $0xFFFFFF80  }
0x47: {  	[spmem:s3] =	stream.indirect.scatter.add.f32 [tilespmem:s16], [sflag:$0x1], $0x80, s4, s18, $0xb8;
	[tilespmem:$0x1C200] =	vst v63  }
0x48: {  	_ =	swait.ge [sflag:s15], $0x4000  }
0x49: {  	[sflag:s15] =	ssyncset.done $0x0  }
0x4a: {  	s31 =	sadd.s32 s23, s12;
	[sflag:s15] =	ssyncadd.s32 $0xFFFFC000  }
0x4b: {  	[tilespmem:s18], [sflag:$0x1] =	stream.linear.gather [hbm4b:s31+s4], $0x80, $0x38;
	[tilespmem:$0x1C200] =	vst v63  }
0x4c: {  	_ =	swait.ge [sflag:s15], $0x80  }
0x4d: {  	[sflag:s15] =	ssyncset.done $0x0  }
0x4e: {  	[sflag:s15] =	ssyncadd.s32 $0xFFFFFF80  }
0x4f: {  	[spmem:s3] =	stream.indirect.scatter.add.f32 [tilespmem:s17], [sflag:$0x1], $0x80, s18, s18, $0xb8;
	[tilespmem:$0x1C200] =	vst v63  }
0x50: {  	_ =	swait.ge [sflag:s15], $0x4000  }
0x51: {  	[sflag:s15] =	ssyncset.done $0x0  }
0x52: {  	[sflag:s15] =	ssyncadd.s32 $0xFFFFC000  }
0x53: {  	[tilespmem:s19], [sflag:$0x1] =	stream.linear.gather [hbm4b:s8+s4], $0x10, $0x38;
	[tilespmem:$0x1C200] =	vst v63  }
0x54: {  	_ =	swait.ge [sflag:s15], $0x10  }
0x55: {  	[sflag:s15] =	ssyncset.done $0x0  }
0x56: {  	[sflag:s15] =	ssyncadd.s32 $0xFFFFFFF0  }
0x57: {  	[spmem:s3] =	stream.indirect.scatter.add.f32 [tilespmem:s16], [sflag:$0x1], $0x80, s19, s20, $0xb8;
	[tilespmem:$0x1C200] =	vst v63  }
0x58: {  	_ =	swait.ge [sflag:s15], $0x800  }
0x59: {  	[sflag:s15] =	ssyncset.done $0x0  }
0x5a: {  	[sflag:s15] =	ssyncadd.s32 $0xFFFFF800  }
0x5b: {  	[tilespmem:s21], [sflag:$0x1] =	stream.linear.gather [hbm4b:s9+s4], $0x10, $0x38;
	[tilespmem:$0x1C200] =	vst v63  }
0x5c: {  	_ =	swait.ge [sflag:s15], $0x10  }
0x5d: {  	[sflag:s15] =	ssyncset.done $0x0  }
0x5e: {  	[sflag:s15] =	ssyncadd.s32 $0xFFFFFFF0  }
0x5f: {  	[spmem:s3] =	stream.indirect.scatter.add.f32 [tilespmem:s17], [sflag:$0x1], $0x80, s21, s20, $0xb8;
	[tilespmem:$0x1C200] =	vst v63  }
0x60: {  	_ =	swait.ge [sflag:s15], $0x800  }
0x61: {  	s22 =	sadd.s32 $0x1, s22;
	[sflag:s15] =	ssyncset.done $0x0  }
0x62: {  	p0 =	sne.s32 s22, s11;
	[sflag:s15] =	ssyncadd.s32 $0xFFFFF800  }
.Ltmp1:
0x63: {  	[bflag:$0x0] =	sbarrier.arrive $0xFFFF;
	(pc) =	sbr.rel @p0 .LBB2_1-.Ltmp1, $4  }
0x64: {  	[hbm:s10], [sflag:s7] =	dma.local [spmem:s14], $0x2800  }
0x65: {  	_ =	swait.ge [sflag:s15], $0x2800  }
0x66: {  	[sflag:s15] =	ssyncset.done $0x0  }
0x67: {  	[sflag:s15] =	ssyncadd.s32 $0xFFFFD800  }
0x68: {  	_ =	sfence.sel $0x180000  }
0x69: {  	[bflag:$0x0] =	sbarrier.arrive $0xFFFF  }
0x6a: {  	p0 =	sne.s32 s1, $0x0;
	_ =	strace $0x90000047  }
0x6b: {  	s0 =	sadd.s32 @!p0 $0x100000, s0;
	[bflag:$0x2] =	sbarrier.arrive $0xFFFF  }
0x6c: {  	[sflag:s0] =	ssyncadd.tile.s32 @!p0 $0x1;
	_ =	shalt  }
.Lfunc_end2:
_tile_overlayer_lowered:
.L_overlay_start_2:
0x6d: {  	(tag) =	ssettag $0x2  }
0x6e: {  	s0 =	rddreg [dreg:$0x0];
	s2 =	stileid.u32  }
0x6f: {  	s1 =	rddreg [dreg:$0x1];
	p0 =	sne.s32 s2, $0x0  }
0x70: {  	s3 =	rddreg [dreg:$0x2];
	[bflag:$0x3] =	sbarrier.arrive $0xFFFF;
	s2 =	simm.s32 @!p0 $0x1C01  }
0x71: {  	[timem:s3], [sflag:s2] =	dma.local @!p0 [hbm:s0], s1  }
0x72: {  	s0 =	simm.s32 @!p0 $0x1  }
0x73: {  	_ =	swait.ge @!p0 [sflag:s0], s1  }
0x74: {  	s1 =	ssub.s32 @!p0 $0x0, s1;
	[sflag:s0] =	ssyncset.done @!p0 $0x0  }
0x75: {  	[sflag:s0] =	ssyncadd.s32 @!p0 s1  }
0x76: {  	[bflag:$0x3] =	sbarrier.arrive $0xFFFF  }
0x77: {  	_ =	shalt  }

</sc_bundles>
